<compile_context>
chip_gen: v7x
topology: tpu7x:2x2x1
jax: 0.10.2.dev20260603
libtpu: 0.0.44.dev20260713+nightly
codegen_flags: <defaults>
</compile_context>

<pallas_src>
import functools

import jax
import jax.numpy as jnp
from jax import lax
from jax.experimental import pallas as pl
from jax.experimental.pallas import tpu as pltpu, tpu_sc as plsc

N = 10000
E = 320000
D = 128
H = 16
C = 5
CP = 8

NPAD = 10240
NC = 2
NS = 16
NW = NC * NS
EW = E // NW
CHUNKS = (2504, 2504, 2504, 2488)
OFFS = (0, 2504, 5008, 7512)
NITER = len(CHUNKS)
CMAX = CHUNKS[0]
RPT = NPAD // NS


def _fill(ref, n, val):
    v = jnp.full((16,), val, jnp.float32)

    def body(i, c):
        ref[pl.ds(i * 16, 16)] = v
        return c

    lax.fori_loop(0, n // 16, body, 0)


def _make_deg_kernel():
    mesh = plsc.VectorSubcoreMesh(core_axis_name="c", subcore_axis_name="s")

    @functools.partial(
        pl.kernel,
        mesh=mesh,
        out_type=jax.ShapeDtypeStruct((NC, NPAD), jnp.float32),
        scratch_types=[
            pltpu.VMEM((EW,), jnp.int32),
            pltpu.VMEM((EW,), jnp.float32),
            pltpu.VMEM((RPT,), jnp.float32),
            pltpu.VMEM_SHARED((NPAD,), jnp.float32),
            pltpu.SemaphoreType.DMA,
        ],
    )
    def deg_kernel(ei, out, dst_v, ones_v, z_v, acc, sem):
        cid = lax.axis_index("c")
        sid = lax.axis_index("s")
        wid = cid * NS + sid
        base = wid * EW

        idx_cp = pltpu.async_copy(ei.at[pl.ds(E + base, EW)], dst_v, sem)
        _fill(z_v, RPT, 0.0)
        _fill(ones_v, EW, 1.0)
        pltpu.sync_copy(z_v, acc.at[pl.ds(sid * RPT, RPT)])
        plsc.subcore_barrier()
        idx_cp.wait()
        pltpu.sync_copy(ones_v, acc.at[dst_v], add=True)
        plsc.subcore_barrier()
        pltpu.sync_copy(
            acc.at[pl.ds(sid * RPT, RPT)],
            out.at[cid, pl.ds(sid * RPT, RPT)],
        )

    return deg_kernel


def _make_edge_kernel(width):
    mesh = plsc.VectorSubcoreMesh(core_axis_name="c", subcore_axis_name="s")

    @functools.partial(
        pl.kernel,
        mesh=mesh,
        out_type=jax.ShapeDtypeStruct((NC, NPAD, width), jnp.float32),
        scratch_types=[
            [pltpu.VMEM((c,), jnp.int32) for c in CHUNKS],
            [pltpu.VMEM((c,), jnp.int32) for c in CHUNKS],
            [pltpu.VMEM((CMAX, width), jnp.float32) for _ in range(2)],
            pltpu.VMEM_SHARED((NPAD, width), jnp.float32),
            pltpu.SemaphoreType.DMA,
            [pltpu.SemaphoreType.DMA for _ in range(2)],
            [pltpu.SemaphoreType.DMA for _ in range(2)],
        ],
        compiler_params=pltpu.CompilerParams(use_tc_tiling_on_sc=False),
    )
    def edge_kernel(ei, g, zeros, out, srcs, dsts, rows, acc, semi, semg,
                    sems):
        cid = lax.axis_index("c")
        sid = lax.axis_index("s")
        wid = cid * NS + sid
        base = wid * EW

        src0_cp = pltpu.async_copy(
            ei.at[pl.ds(base, CHUNKS[0])], srcs[0], semi)
        cps = [pltpu.async_copy(
            zeros.at[pl.ds(sid * RPT, RPT)],
            acc.at[pl.ds(sid * RPT, RPT)], semi)]
        for j in range(NITER):
            off = base + OFFS[j]
            if j > 0:
                cps.append(pltpu.async_copy(ei.at[pl.ds(off, CHUNKS[j])],
                                            srcs[j], semi))
            cps.append(pltpu.async_copy(ei.at[pl.ds(E + off, CHUNKS[j])],
                                        dsts[j], semi))

        def buf(j):
            b = rows[j % 2]
            return b if CHUNKS[j] == CMAX else b.at[pl.ds(0, CHUNKS[j])]

        src0_cp.wait()
        gathers = [None, None]
        gathers[0] = pltpu.async_copy(g.at[srcs[0]], buf(0), semg[0])
        for cp in cps:
            cp.wait()
        plsc.subcore_barrier()

        scat = [None, None]
        for j in range(NITER):
            gathers[j % 2].wait()
            if j + 1 < NITER:
                nb = (j + 1) % 2
                if scat[nb] is not None:
                    scat[nb].wait()
                    scat[nb] = None
                gathers[nb] = pltpu.async_copy(
                    g.at[srcs[j + 1]], buf(j + 1), semg[nb])
            scat[j % 2] = pltpu.async_copy(
                buf(j), acc.at[dsts[j]], sems[j % 2], add=True)
        for sc in scat:
            if sc is not None:
                sc.wait()

        plsc.subcore_barrier()
        pltpu.sync_copy(
            acc.at[pl.ds(sid * RPT, RPT)],
            out.at[cid, pl.ds(sid * RPT, RPT)],
        )

    return edge_kernel


def _k2a_body(x_ref, w1_ref, h1_ref):
    h1_ref[...] = jnp.dot(x_ref[...], w1_ref[...],
                          preferred_element_type=jnp.float32)


def _k6_body(q_ref, g2_ref, dinv_ref, w2_ref, b2_ref, w3_ref, b3_ref,
             w4_ref, b4_ref, out_ref):
    dinv = dinv_ref[...]
    s2 = dinv * (q_ref[0:N, :] + q_ref[NPAD:NPAD + N, :] + g2_ref[...])
    w23 = jnp.dot(w2_ref[...], w3_ref[...],
                  preferred_element_type=jnp.float32)
    b23 = jnp.dot(b2_ref[...], w3_ref[...],
                  preferred_element_type=jnp.float32) + b3_ref[...]
    z1 = jnp.maximum(
        jnp.dot(s2, w23, preferred_element_type=jnp.float32) + b23, 0.0)
    z = jnp.dot(z1, w4_ref[...], preferred_element_type=jnp.float32) \
        + b4_ref[...]
    m = jnp.max(z, axis=1, keepdims=True)
    lse = jnp.log(jnp.sum(jnp.exp(z - m), axis=1, keepdims=True)) + m
    out_ref[...] = z - lse


def kernel(x, edge_index, W1, b1, W2, b2, W3, b3, W4, b4):
    deg_k = _make_deg_kernel()
    edge16 = _make_edge_kernel(H)

    ei_flat = edge_index.reshape(2 * E)

    h1 = pl.pallas_call(
        _k2a_body,
        out_shape=jax.ShapeDtypeStruct((N, H), jnp.float32),
    )(x, W1)

    degp = deg_k(ei_flat)

    deg = degp[0, :N] + degp[1, :N] + 1.0
    dinv = lax.rsqrt(deg)[:, None]
    g1 = h1 * dinv

    z16 = jnp.zeros((NPAD, H), jnp.float32)
    p1 = edge16(ei_flat, g1, z16)

    r1 = jnp.maximum(dinv * (p1[0, :N] + p1[1, :N] + g1) + b1[None, :], 0.0)
    g2 = r1 * dinv

    p2 = edge16(ei_flat, g2, z16).reshape(NC * NPAD, H)

    out = pl.pallas_call(
        _k6_body,
        out_shape=jax.ShapeDtypeStruct((N, C), jnp.float32),
    )(p2, g2, dinv, W2, b2.reshape(1, C), W3, b3.reshape(1, 32), W4,
      b4.reshape(1, C))
    return out

# --- scband reference (transcript-rebuilt; emitter-appended) ---
"""Pipeline reference for scband-gcn-11527692222479 (READ-ONLY COPY).

The authoritative reference and input builder live on the scoring server;
editing this copy changes nothing except your own understanding.
"""

import jax, jax.numpy as jnp
import numpy as np

N = 10000
E = 320000
D = 128
H = 16
C = 5


def setup_inputs(seed: int = 0) -> dict:
    key = jax.random.key(seed)
    ks = jax.random.split(key, 8)
    x = jax.random.normal(ks[0], (N, D), dtype=jnp.float32)
    edge_index = jax.random.randint(ks[1], (2, E), 0, N, dtype=jnp.int32)
    W1 = jax.random.normal(ks[2], (D, H), dtype=jnp.float32) * 0.1
    b1 = jnp.zeros((H,), dtype=jnp.float32)
    W2 = jax.random.normal(ks[3], (H, C), dtype=jnp.float32) * 0.1
    b2 = jnp.zeros((C,), dtype=jnp.float32)
    W3 = jax.random.normal(ks[4], (C, 32), dtype=jnp.float32) * 0.1
    b3 = jnp.zeros((32,), dtype=jnp.float32)
    W4 = jax.random.normal(ks[5], (32, C), dtype=jnp.float32) * 0.1
    b4 = jnp.zeros((C,), dtype=jnp.float32)
    return {"x": x, "edge_index": edge_index, "W1": W1, "b1": b1,
            "W2": W2, "b2": b2, "W3": W3, "b3": b3, "W4": W4, "b4": b4}


def _gcn_conv(x, src, dst, W, b):
    # PyG GCNConv with normalize=True, add_self_loops=True, edge_weight=None
    n = x.shape[0]
    loop = jnp.arange(n, dtype=src.dtype)
    s = jnp.concatenate([src, loop])
    d = jnp.concatenate([dst, loop])
    ew = jnp.ones(s.shape[0], dtype=x.dtype)
    deg = jnp.zeros((n,), dtype=x.dtype).at[d].add(ew)
    dinv = jnp.where(deg > 0, jax.lax.rsqrt(jnp.where(deg > 0, deg, 1.0)), 0.0)
    norm = dinv[s] * ew * dinv[d]
    h = x @ W
    out = jnp.zeros((n, W.shape[1]), dtype=x.dtype).at[d].add(h[s] * norm[:, None])
    return out + b


def reference(x, edge_index, W1, b1, W2, b2, W3, b3, W4, b4):
    src, dst = edge_index[0], edge_index[1]
    h = _gcn_conv(x, src, dst, W1, b1)
    h = jax.nn.relu(h)
    # dropout is identity in eval mode
    h = _gcn_conv(h, src, dst, W2, b2)
    h = h @ W3 + b3
    h = jax.nn.relu(h)
    h = h @ W4 + b4
    return jax.nn.log_softmax(h, axis=1)

if __name__ == "__main__":
    import jax
    _d = setup_inputs()
    print(jax.jit(kernel)(*tuple(_d.values())))

</pallas_src>

<mosaic_0001>
#map = affine_map<(d0, d1) -> (0)>
#map1 = affine_map<(d0, d1) -> (0, 0)>
#map2 = affine_map<(d0, d1) -> (0, 0, 0)>
module attributes {stable_mosaic.version = 14 : i64} {
  func.func @edge_kernel(%arg0: i32, %arg1: i32, %arg2: memref<640000xi32, #tpu.memory_space<hbm>>, %arg3: memref<10000x16xf32, #tpu.memory_space<hbm>>, %arg4: memref<10240x16xf32, #tpu.memory_space<hbm>>, %arg5: memref<2x10240x16xf32, #tpu.memory_space<hbm>>, %arg6: memref<2504xi32, #tpu.memory_space<vmem>>, %arg7: memref<2504xi32, #tpu.memory_space<vmem>>, %arg8: memref<2504xi32, #tpu.memory_space<vmem>>, %arg9: memref<2488xi32, #tpu.memory_space<vmem>>, %arg10: memref<2504xi32, #tpu.memory_space<vmem>>, %arg11: memref<2504xi32, #tpu.memory_space<vmem>>, %arg12: memref<2504xi32, #tpu.memory_space<vmem>>, %arg13: memref<2488xi32, #tpu.memory_space<vmem>>, %arg14: memref<2504x16xf32, #tpu.memory_space<vmem>>, %arg15: memref<2504x16xf32, #tpu.memory_space<vmem>>, %arg16: memref<10240x16xf32, #tpu.memory_space<vmem_shared>>, %arg17: memref<!tpu.dma_semaphore, #tpu.memory_space<semaphore_mem>>, %arg18: memref<!tpu.dma_semaphore, #tpu.memory_space<semaphore_mem>>, %arg19: memref<!tpu.dma_semaphore, #tpu.memory_space<semaphore_mem>>, %arg20: memref<!tpu.dma_semaphore, #tpu.memory_space<semaphore_mem>>, %arg21: memref<!tpu.dma_semaphore, #tpu.memory_space<semaphore_mem>>) attributes {dimension_semantics = [#tpu.dimension_semantics<core_parallel>, #tpu.dimension_semantics<subcore_parallel>], iteration_bounds = array<i64: 2, 16>, scalar_prefetch = 0 : i64, scratch_operands = 16 : i64, tpu.core_type = #tpu.core_type<sc_vector_subcore>, window_params = [{transform_indices = #map}, {transform_indices = #map1}, {transform_indices = #map1}, {transform_indices = #map2}]} {
    %mul3A = arith.constant 16 : i32
    %mul3A_0 = arith.muli %arg0, %mul3A : i32
    %add3A = arith.addi %mul3A_0, %arg1 : i32
    %mul3A_1 = arith.constant 10000 : i32
    %mul3A_2 = arith.muli %add3A, %mul3A_1 : i32
    %dma_start3A = tpu.memref_slice %arg2[%mul3A_2] : memref<640000xi32, #tpu.memory_space<hbm>> -> memref<2504xi32, #tpu.memory_space<hbm>>
    %dma_start3A_3 = tpu.memref_slice %arg2[%mul3A_2] : memref<640000xi32, #tpu.memory_space<hbm>> -> memref<2504xi32, #tpu.memory_space<hbm>>
    tpu.enqueue_dma source(%dma_start3A_3 : memref<2504xi32, #tpu.memory_space<hbm>>) target(%arg6 : memref<2504xi32, #tpu.memory_space<vmem>>) target_semaphore(%arg17 : memref<!tpu.dma_semaphore, #tpu.memory_space<semaphore_mem>>)
    %mul3A_4 = arith.constant 640 : i32
    %mul3A_5 = arith.muli %arg1, %mul3A_4 : i32
    %mul3A_6 = arith.constant 640 : i32
    %mul3A_7 = arith.muli %arg1, %mul3A_6 : i32
    %dma_start3A_8 = arith.constant 0 : i32
    %dma_start3A_9 = tpu.memref_slice %arg16[%mul3A_7, %dma_start3A_8] : memref<10240x16xf32, #tpu.memory_space<vmem_shared>> -> memref<640x16xf32, #tpu.memory_space<vmem_shared>>
    %dma_start3A_10 = arith.constant 0 : i32
    %dma_start3A_11 = tpu.memref_slice %arg4[%mul3A_5, %dma_start3A_10] : memref<10240x16xf32, #tpu.memory_space<hbm>> -> memref<640x16xf32, #tpu.memory_space<hbm>>
    tpu.enqueue_dma source(%dma_start3A_11 : memref<640x16xf32, #tpu.memory_space<hbm>>) target(%dma_start3A_9 : memref<640x16xf32, #tpu.memory_space<vmem_shared>>) target_semaphore(%arg17 : memref<!tpu.dma_semaphore, #tpu.memory_space<semaphore_mem>>)
    %add3A_12 = arith.constant 0 : i32
    %add3A_13 = arith.addi %mul3A_2, %add3A_12 : i32
    %add3A_14 = arith.constant 320000 : i32
    %add3A_15 = arith.addi %add3A_14, %add3A_13 : i32
    %dma_start3A_16 = tpu.memref_slice %arg2[%add3A_15] : memref<640000xi32, #tpu.memory_space<hbm>> -> memref<2504xi32, #tpu.memory_space<hbm>>
    %dma_start3A_17 = tpu.memref_slice %arg2[%add3A_15] : memref<640000xi32, #tpu.memory_space<hbm>> -> memref<2504xi32, #tpu.memory_space<hbm>>
    tpu.enqueue_dma source(%dma_start3A_17 : memref<2504xi32, #tpu.memory_space<hbm>>) target(%arg10 : memref<2504xi32, #tpu.memory_space<vmem>>) target_semaphore(%arg17 : memref<!tpu.dma_semaphore, #tpu.memory_space<semaphore_mem>>)
    %add3A_18 = arith.constant 2504 : i32
    %add3A_19 = arith.addi %mul3A_2, %add3A_18 : i32
    %dma_start3A_20 = tpu.memref_slice %arg2[%add3A_19] : memref<640000xi32, #tpu.memory_space<hbm>> -> memref<2504xi32, #tpu.memory_space<hbm>>
    %dma_start3A_21 = tpu.memref_slice %arg2[%add3A_19] : memref<640000xi32, #tpu.memory_space<hbm>> -> memref<2504xi32, #tpu.memory_space<hbm>>
    tpu.enqueue_dma source(%dma_start3A_21 : memref<2504xi32, #tpu.memory_space<hbm>>) target(%arg7 : memref<2504xi32, #tpu.memory_space<vmem>>) target_semaphore(%arg17 : memref<!tpu.dma_semaphore, #tpu.memory_space<semaphore_mem>>)
    %add3A_22 = arith.constant 320000 : i32
    %add3A_23 = arith.addi %add3A_22, %add3A_19 : i32
    %dma_start3A_24 = tpu.memref_slice %arg2[%add3A_23] : memref<640000xi32, #tpu.memory_space<hbm>> -> memref<2504xi32, #tpu.memory_space<hbm>>
    %dma_start3A_25 = tpu.memref_slice %arg2[%add3A_23] : memref<640000xi32, #tpu.memory_space<hbm>> -> memref<2504xi32, #tpu.memory_space<hbm>>
    tpu.enqueue_dma source(%dma_start3A_25 : memref<2504xi32, #tpu.memory_space<hbm>>) target(%arg11 : memref<2504xi32, #tpu.memory_space<vmem>>) target_semaphore(%arg17 : memref<!tpu.dma_semaphore, #tpu.memory_space<semaphore_mem>>)
    %add3A_26 = arith.constant 5008 : i32
    %add3A_27 = arith.addi %mul3A_2, %add3A_26 : i32
    %dma_start3A_28 = tpu.memref_slice %arg2[%add3A_27] : memref<640000xi32, #tpu.memory_space<hbm>> -> memref<2504xi32, #tpu.memory_space<hbm>>
    %dma_start3A_29 = tpu.memref_slice %arg2[%add3A_27] : memref<640000xi32, #tpu.memory_space<hbm>> -> memref<2504xi32, #tpu.memory_space<hbm>>
    tpu.enqueue_dma source(%dma_start3A_29 : memref<2504xi32, #tpu.memory_space<hbm>>) target(%arg8 : memref<2504xi32, #tpu.memory_space<vmem>>) target_semaphore(%arg17 : memref<!tpu.dma_semaphore, #tpu.memory_space<semaphore_mem>>)
    %add3A_30 = arith.constant 320000 : i32
    %add3A_31 = arith.addi %add3A_30, %add3A_27 : i32
    %dma_start3A_32 = tpu.memref_slice %arg2[%add3A_31] : memref<640000xi32, #tpu.memory_space<hbm>> -> memref<2504xi32, #tpu.memory_space<hbm>>
    %dma_start3A_33 = tpu.memref_slice %arg2[%add3A_31] : memref<640000xi32, #tpu.memory_space<hbm>> -> memref<2504xi32, #tpu.memory_space<hbm>>
    tpu.enqueue_dma source(%dma_start3A_33 : memref<2504xi32, #tpu.memory_space<hbm>>) target(%arg12 : memref<2504xi32, #tpu.memory_space<vmem>>) target_semaphore(%arg17 : memref<!tpu.dma_semaphore, #tpu.memory_space<semaphore_mem>>)
    %add3A_34 = arith.constant 7512 : i32
    %add3A_35 = arith.addi %mul3A_2, %add3A_34 : i32
    %dma_start3A_36 = tpu.memref_slice %arg2[%add3A_35] : memref<640000xi32, #tpu.memory_space<hbm>> -> memref<2488xi32, #tpu.memory_space<hbm>>
    %dma_start3A_37 = tpu.memref_slice %arg2[%add3A_35] : memref<640000xi32, #tpu.memory_space<hbm>> -> memref<2488xi32, #tpu.memory_space<hbm>>
    tpu.enqueue_dma source(%dma_start3A_37 : memref<2488xi32, #tpu.memory_space<hbm>>) target(%arg9 : memref<2488xi32, #tpu.memory_space<vmem>>) target_semaphore(%arg17 : memref<!tpu.dma_semaphore, #tpu.memory_space<semaphore_mem>>)
    %add3A_38 = arith.constant 320000 : i32
    %add3A_39 = arith.addi %add3A_38, %add3A_35 : i32
    %dma_start3A_40 = tpu.memref_slice %arg2[%add3A_39] : memref<640000xi32, #tpu.memory_space<hbm>> -> memref<2488xi32, #tpu.memory_space<hbm>>
    %dma_start3A_41 = tpu.memref_slice %arg2[%add3A_39] : memref<640000xi32, #tpu.memory_space<hbm>> -> memref<2488xi32, #tpu.memory_space<hbm>>
    tpu.enqueue_dma source(%dma_start3A_41 : memref<2488xi32, #tpu.memory_space<hbm>>) target(%arg13 : memref<2488xi32, #tpu.memory_space<vmem>>) target_semaphore(%arg17 : memref<!tpu.dma_semaphore, #tpu.memory_space<semaphore_mem>>)
    %dma_wait3A = tpu.memref_slice %arg2[%mul3A_2] : memref<640000xi32, #tpu.memory_space<hbm>> -> memref<2504xi32, #tpu.memory_space<hbm>>
    %dma_wait3A_42 = tpu.memref_slice %arg2[%mul3A_2] : memref<640000xi32, #tpu.memory_space<hbm>> -> memref<2504xi32, #tpu.memory_space<hbm>>
    tpu.wait_dma2 semaphore(%arg17 : memref<!tpu.dma_semaphore, #tpu.memory_space<semaphore_mem>>) src(%dma_wait3A_42 : memref<2504xi32, #tpu.memory_space<hbm>>) dst(%arg6 : memref<2504xi32, #tpu.memory_space<vmem>>)
    %dma_start3A_43 = arith.constant 0 : i32
    %dma_start3A_44 = arith.constant 0 : i32
    %dma_start3A_45 = tpu.memref_slice %arg3[%dma_start3A_43, %dma_start3A_44] : memref<10000x16xf32, #tpu.memory_space<hbm>> -> memref<10000x16xf32, #tpu.memory_space<hbm>>
    tpu.enqueue_indirect_dma source(%dma_start3A_45 : memref<10000x16xf32, #tpu.memory_space<hbm>>) target(%arg14 : memref<2504x16xf32, #tpu.memory_space<vmem>>) offsets(%arg6 : memref<2504xi32, #tpu.memory_space<vmem>>) semaphore(%arg18 : memref<!tpu.dma_semaphore, #tpu.memory_space<semaphore_mem>>)
    %dma_wait3A_46 = arith.constant 0 : i32
    %dma_wait3A_47 = tpu.memref_slice %arg16[%mul3A_7, %dma_wait3A_46] : memref<10240x16xf32, #tpu.memory_space<vmem_shared>> -> memref<640x16xf32, #tpu.memory_space<vmem_shared>>
    %dma_wait3A_48 = arith.constant 0 : i32
    %dma_wait3A_49 = tpu.memref_slice %arg4[%mul3A_5, %dma_wait3A_48] : memref<10240x16xf32, #tpu.memory_space<hbm>> -> memref<640x16xf32, #tpu.memory_space<hbm>>
    tpu.wait_dma2 semaphore(%arg17 : memref<!tpu.dma_semaphore, #tpu.memory_space<semaphore_mem>>) src(%dma_wait3A_49 : memref<640x16xf32, #tpu.memory_space<hbm>>) dst(%dma_wait3A_47 : memref<640x16xf32, #tpu.memory_space<vmem_shared>>)
    %dma_wait3A_50 = tpu.memref_slice %arg2[%add3A_15] : memref<640000xi32, #tpu.memory_space<hbm>> -> memref<2504xi32, #tpu.memory_space<hbm>>
    %dma_wait3A_51 = tpu.memref_slice %arg2[%add3A_15] : memref<640000xi32, #tpu.memory_space<hbm>> -> memref<2504xi32, #tpu.memory_space<hbm>>
    tpu.wait_dma2 semaphore(%arg17 : memref<!tpu.dma_semaphore, #tpu.memory_space<semaphore_mem>>) src(%dma_wait3A_51 : memref<2504xi32, #tpu.memory_space<hbm>>) dst(%arg10 : memref<2504xi32, #tpu.memory_space<vmem>>)
    %dma_wait3A_52 = tpu.memref_slice %arg2[%add3A_19] : memref<640000xi32, #tpu.memory_space<hbm>> -> memref<2504xi32, #tpu.memory_space<hbm>>
    %dma_wait3A_53 = tpu.memref_slice %arg2[%add3A_19] : memref<640000xi32, #tpu.memory_space<hbm>> -> memref<2504xi32, #tpu.memory_space<hbm>>
    tpu.wait_dma2 semaphore(%arg17 : memref<!tpu.dma_semaphore, #tpu.memory_space<semaphore_mem>>) src(%dma_wait3A_53 : memref<2504xi32, #tpu.memory_space<hbm>>) dst(%arg7 : memref<2504xi32, #tpu.memory_space<vmem>>)
    %dma_wait3A_54 = tpu.memref_slice %arg2[%add3A_23] : memref<640000xi32, #tpu.memory_space<hbm>> -> memref<2504xi32, #tpu.memory_space<hbm>>
    %dma_wait3A_55 = tpu.memref_slice %arg2[%add3A_23] : memref<640000xi32, #tpu.memory_space<hbm>> -> memref<2504xi32, #tpu.memory_space<hbm>>
    tpu.wait_dma2 semaphore(%arg17 : memref<!tpu.dma_semaphore, #tpu.memory_space<semaphore_mem>>) src(%dma_wait3A_55 : memref<2504xi32, #tpu.memory_space<hbm>>) dst(%arg11 : memref<2504xi32, #tpu.memory_space<vmem>>)
    %dma_wait3A_56 = tpu.memref_slice %arg2[%add3A_27] : memref<640000xi32, #tpu.memory_space<hbm>> -> memref<2504xi32, #tpu.memory_space<hbm>>
    %dma_wait3A_57 = tpu.memref_slice %arg2[%add3A_27] : memref<640000xi32, #tpu.memory_space<hbm>> -> memref<2504xi32, #tpu.memory_space<hbm>>
    tpu.wait_dma2 semaphore(%arg17 : memref<!tpu.dma_semaphore, #tpu.memory_space<semaphore_mem>>) src(%dma_wait3A_57 : memref<2504xi32, #tpu.memory_space<hbm>>) dst(%arg8 : memref<2504xi32, #tpu.memory_space<vmem>>)
    %dma_wait3A_58 = tpu.memref_slice %arg2[%add3A_31] : memref<640000xi32, #tpu.memory_space<hbm>> -> memref<2504xi32, #tpu.memory_space<hbm>>
    %dma_wait3A_59 = tpu.memref_slice %arg2[%add3A_31] : memref<640000xi32, #tpu.memory_space<hbm>> -> memref<2504xi32, #tpu.memory_space<hbm>>
    tpu.wait_dma2 semaphore(%arg17 : memref<!tpu.dma_semaphore, #tpu.memory_space<semaphore_mem>>) src(%dma_wait3A_59 : memref<2504xi32, #tpu.memory_space<hbm>>) dst(%arg12 : memref<2504xi32, #tpu.memory_space<vmem>>)
    %dma_wait3A_60 = tpu.memref_slice %arg2[%add3A_35] : memref<640000xi32, #tpu.memory_space<hbm>> -> memref<2488xi32, #tpu.memory_space<hbm>>
    %dma_wait3A_61 = tpu.memref_slice %arg2[%add3A_35] : memref<640000xi32, #tpu.memory_space<hbm>> -> memref<2488xi32, #tpu.memory_space<hbm>>
    tpu.wait_dma2 semaphore(%arg17 : memref<!tpu.dma_semaphore, #tpu.memory_space<semaphore_mem>>) src(%dma_wait3A_61 : memref<2488xi32, #tpu.memory_space<hbm>>) dst(%arg9 : memref<2488xi32, #tpu.memory_space<vmem>>)
    %dma_wait3A_62 = tpu.memref_slice %arg2[%add3A_39] : memref<640000xi32, #tpu.memory_space<hbm>> -> memref<2488xi32, #tpu.memory_space<hbm>>
    %dma_wait3A_63 = tpu.memref_slice %arg2[%add3A_39] : memref<640000xi32, #tpu.memory_space<hbm>> -> memref<2488xi32, #tpu.memory_space<hbm>>
    tpu.wait_dma2 semaphore(%arg17 : memref<!tpu.dma_semaphore, #tpu.memory_space<semaphore_mem>>) src(%dma_wait3A_63 : memref<2488xi32, #tpu.memory_space<hbm>>) dst(%arg13 : memref<2488xi32, #tpu.memory_space<vmem>>)
    %barrier3A = arith.constant 0 : index
    tpu.barrier barrier_id(%barrier3A)
    %dma_wait3A_64 = arith.constant 0 : i32
    %dma_wait3A_65 = arith.constant 0 : i32
    %dma_wait3A_66 = tpu.memref_slice %arg3[%dma_wait3A_64, %dma_wait3A_65] : memref<10000x16xf32, #tpu.memory_space<hbm>> -> memref<10000x16xf32, #tpu.memory_space<hbm>>
    tpu.wait_indirect_dma semaphore(%arg18 : memref<!tpu.dma_semaphore, #tpu.memory_space<semaphore_mem>>) src(%dma_wait3A_66 : memref<10000x16xf32, #tpu.memory_space<hbm>>) dst(%arg14 : memref<2504x16xf32, #tpu.memory_space<vmem>>)
    %dma_start3A_67 = arith.constant 0 : i32
    %dma_start3A_68 = arith.constant 0 : i32
    %dma_start3A_69 = tpu.memref_slice %arg3[%dma_start3A_67, %dma_start3A_68] : memref<10000x16xf32, #tpu.memory_space<hbm>> -> memref<10000x16xf32, #tpu.memory_space<hbm>>
    tpu.enqueue_indirect_dma source(%dma_start3A_69 : memref<10000x16xf32, #tpu.memory_space<hbm>>) target(%arg15 : memref<2504x16xf32, #tpu.memory_space<vmem>>) offsets(%arg7 : memref<2504xi32, #tpu.memory_space<vmem>>) semaphore(%arg19 : memref<!tpu.dma_semaphore, #tpu.memory_space<semaphore_mem>>)
    %dma_start3A_70 = arith.constant 0 : i32
    %dma_start3A_71 = arith.constant 0 : i32
    %dma_start3A_72 = tpu.memref_slice %arg16[%dma_start3A_70, %dma_start3A_71] : memref<10240x16xf32, #tpu.memory_space<vmem_shared>> -> memref<10240x16xf32, #tpu.memory_space<vmem_shared>>
    tpu.enqueue_indirect_dma source(%arg14 : memref<2504x16xf32, #tpu.memory_space<vmem>>) target(%dma_start3A_72 : memref<10240x16xf32, #tpu.memory_space<vmem_shared>>) offsets(%arg10 : memref<2504xi32, #tpu.memory_space<vmem>>) semaphore(%arg20 : memref<!tpu.dma_semaphore, #tpu.memory_space<semaphore_mem>>) {add = true}
    %dma_wait3A_73 = arith.constant 0 : i32
    %dma_wait3A_74 = arith.constant 0 : i32
    %dma_wait3A_75 = tpu.memref_slice %arg3[%dma_wait3A_73, %dma_wait3A_74] : memref<10000x16xf32, #tpu.memory_space<hbm>> -> memref<10000x16xf32, #tpu.memory_space<hbm>>
    tpu.wait_indirect_dma semaphore(%arg19 : memref<!tpu.dma_semaphore, #tpu.memory_space<semaphore_mem>>) src(%dma_wait3A_75 : memref<10000x16xf32, #tpu.memory_space<hbm>>) dst(%arg15 : memref<2504x16xf32, #tpu.memory_space<vmem>>)
    %dma_wait3A_76 = arith.constant 0 : i32
    %dma_wait3A_77 = arith.constant 0 : i32
    %dma_wait3A_78 = tpu.memref_slice %arg16[%dma_wait3A_76, %dma_wait3A_77] : memref<10240x16xf32, #tpu.memory_space<vmem_shared>> -> memref<10240x16xf32, #tpu.memory_space<vmem_shared>>
    tpu.wait_indirect_dma semaphore(%arg20 : memref<!tpu.dma_semaphore, #tpu.memory_space<semaphore_mem>>) src(%arg14 : memref<2504x16xf32, #tpu.memory_space<vmem>>) dst(%dma_wait3A_78 : memref<10240x16xf32, #tpu.memory_space<vmem_shared>>)
    %dma_start3A_79 = arith.constant 0 : i32
    %dma_start3A_80 = arith.constant 0 : i32
    %dma_start3A_81 = tpu.memref_slice %arg3[%dma_start3A_79, %dma_start3A_80] : memref<10000x16xf32, #tpu.memory_space<hbm>> -> memref<10000x16xf32, #tpu.memory_space<hbm>>
    tpu.enqueue_indirect_dma source(%dma_start3A_81 : memref<10000x16xf32, #tpu.memory_space<hbm>>) target(%arg14 : memref<2504x16xf32, #tpu.memory_space<vmem>>) offsets(%arg8 : memref<2504xi32, #tpu.memory_space<vmem>>) semaphore(%arg18 : memref<!tpu.dma_semaphore, #tpu.memory_space<semaphore_mem>>)
    %dma_start3A_82 = arith.constant 0 : i32
    %dma_start3A_83 = arith.constant 0 : i32
    %dma_start3A_84 = tpu.memref_slice %arg16[%dma_start3A_82, %dma_start3A_83] : memref<10240x16xf32, #tpu.memory_space<vmem_shared>> -> memref<10240x16xf32, #tpu.memory_space<vmem_shared>>
    tpu.enqueue_indirect_dma source(%arg15 : memref<2504x16xf32, #tpu.memory_space<vmem>>) target(%dma_start3A_84 : memref<10240x16xf32, #tpu.memory_space<vmem_shared>>) offsets(%arg11 : memref<2504xi32, #tpu.memory_space<vmem>>) semaphore(%arg21 : memref<!tpu.dma_semaphore, #tpu.memory_space<semaphore_mem>>) {add = true}
    %dma_wait3A_85 = arith.constant 0 : i32
    %dma_wait3A_86 = arith.constant 0 : i32
    %dma_wait3A_87 = tpu.memref_slice %arg3[%dma_wait3A_85, %dma_wait3A_86] : memref<10000x16xf32, #tpu.memory_space<hbm>> -> memref<10000x16xf32, #tpu.memory_space<hbm>>
    tpu.wait_indirect_dma semaphore(%arg18 : memref<!tpu.dma_semaphore, #tpu.memory_space<semaphore_mem>>) src(%dma_wait3A_87 : memref<10000x16xf32, #tpu.memory_space<hbm>>) dst(%arg14 : memref<2504x16xf32, #tpu.memory_space<vmem>>)
    %dma_wait3A_88 = arith.constant 0 : i32
    %dma_wait3A_89 = arith.constant 0 : i32
    %dma_wait3A_90 = tpu.memref_slice %arg16[%dma_wait3A_88, %dma_wait3A_89] : memref<10240x16xf32, #tpu.memory_space<vmem_shared>> -> memref<10240x16xf32, #tpu.memory_space<vmem_shared>>
    tpu.wait_indirect_dma semaphore(%arg21 : memref<!tpu.dma_semaphore, #tpu.memory_space<semaphore_mem>>) src(%arg15 : memref<2504x16xf32, #tpu.memory_space<vmem>>) dst(%dma_wait3A_90 : memref<10240x16xf32, #tpu.memory_space<vmem_shared>>)
    %dma_start3A_91 = arith.constant 0 : i32
    %dma_start3A_92 = arith.constant 0 : i32
    %dma_start3A_93 = tpu.memref_slice %arg15[%dma_start3A_91, %dma_start3A_92] : memref<2504x16xf32, #tpu.memory_space<vmem>> -> memref<2488x16xf32, #tpu.memory_space<vmem>>
    %dma_start3A_94 = arith.constant 0 : i32
    %dma_start3A_95 = arith.constant 0 : i32
    %dma_start3A_96 = tpu.memref_slice %arg3[%dma_start3A_94, %dma_start3A_95] : memref<10000x16xf32, #tpu.memory_space<hbm>> -> memref<10000x16xf32, #tpu.memory_space<hbm>>
    tpu.enqueue_indirect_dma source(%dma_start3A_96 : memref<10000x16xf32, #tpu.memory_space<hbm>>) target(%dma_start3A_93 : memref<2488x16xf32, #tpu.memory_space<vmem>>) offsets(%arg9 : memref<2488xi32, #tpu.memory_space<vmem>>) semaphore(%arg19 : memref<!tpu.dma_semaphore, #tpu.memory_space<semaphore_mem>>)
    %dma_start3A_97 = arith.constant 0 : i32
    %dma_start3A_98 = arith.constant 0 : i32
    %dma_start3A_99 = tpu.memref_slice %arg16[%dma_start3A_97, %dma_start3A_98] : memref<10240x16xf32, #tpu.memory_space<vmem_shared>> -> memref<10240x16xf32, #tpu.memory_space<vmem_shared>>
    tpu.enqueue_indirect_dma source(%arg14 : memref<2504x16xf32, #tpu.memory_space<vmem>>) target(%dma_start3A_99 : memref<10240x16xf32, #tpu.memory_space<vmem_shared>>) offsets(%arg12 : memref<2504xi32, #tpu.memory_space<vmem>>) semaphore(%arg20 : memref<!tpu.dma_semaphore, #tpu.memory_space<semaphore_mem>>) {add = true}
    %dma_wait3A_100 = arith.constant 0 : i32
    %dma_wait3A_101 = arith.constant 0 : i32
    %dma_wait3A_102 = tpu.memref_slice %arg15[%dma_wait3A_100, %dma_wait3A_101] : memref<2504x16xf32, #tpu.memory_space<vmem>> -> memref<2488x16xf32, #tpu.memory_space<vmem>>
    %dma_wait3A_103 = arith.constant 0 : i32
    %dma_wait3A_104 = arith.constant 0 : i32
    %dma_wait3A_105 = tpu.memref_slice %arg3[%dma_wait3A_103, %dma_wait3A_104] : memref<10000x16xf32, #tpu.memory_space<hbm>> -> memref<10000x16xf32, #tpu.memory_space<hbm>>
    tpu.wait_indirect_dma semaphore(%arg19 : memref<!tpu.dma_semaphore, #tpu.memory_space<semaphore_mem>>) src(%dma_wait3A_105 : memref<10000x16xf32, #tpu.memory_space<hbm>>) dst(%dma_wait3A_102 : memref<2488x16xf32, #tpu.memory_space<vmem>>)
    %dma_start3A_106 = arith.constant 0 : i32
    %dma_start3A_107 = arith.constant 0 : i32
    %dma_start3A_108 = tpu.memref_slice %arg15[%dma_start3A_106, %dma_start3A_107] : memref<2504x16xf32, #tpu.memory_space<vmem>> -> memref<2488x16xf32, #tpu.memory_space<vmem>>
    %dma_start3A_109 = arith.constant 0 : i32
    %dma_start3A_110 = arith.constant 0 : i32
    %dma_start3A_111 = tpu.memref_slice %arg16[%dma_start3A_109, %dma_start3A_110] : memref<10240x16xf32, #tpu.memory_space<vmem_shared>> -> memref<10240x16xf32, #tpu.memory_space<vmem_shared>>
    tpu.enqueue_indirect_dma source(%dma_start3A_108 : memref<2488x16xf32, #tpu.memory_space<vmem>>) target(%dma_start3A_111 : memref<10240x16xf32, #tpu.memory_space<vmem_shared>>) offsets(%arg13 : memref<2488xi32, #tpu.memory_space<vmem>>) semaphore(%arg21 : memref<!tpu.dma_semaphore, #tpu.memory_space<semaphore_mem>>) {add = true}
    %dma_wait3A_112 = arith.constant 0 : i32
    %dma_wait3A_113 = arith.constant 0 : i32
    %dma_wait3A_114 = tpu.memref_slice %arg16[%dma_wait3A_112, %dma_wait3A_113] : memref<10240x16xf32, #tpu.memory_space<vmem_shared>> -> memref<10240x16xf32, #tpu.memory_space<vmem_shared>>
    tpu.wait_indirect_dma semaphore(%arg20 : memref<!tpu.dma_semaphore, #tpu.memory_space<semaphore_mem>>) src(%arg14 : memref<2504x16xf32, #tpu.memory_space<vmem>>) dst(%dma_wait3A_114 : memref<10240x16xf32, #tpu.memory_space<vmem_shared>>)
    %dma_wait3A_115 = arith.constant 0 : i32
    %dma_wait3A_116 = arith.constant 0 : i32
    %dma_wait3A_117 = tpu.memref_slice %arg15[%dma_wait3A_115, %dma_wait3A_116] : memref<2504x16xf32, #tpu.memory_space<vmem>> -> memref<2488x16xf32, #tpu.memory_space<vmem>>
    %dma_wait3A_118 = arith.constant 0 : i32
    %dma_wait3A_119 = arith.constant 0 : i32
    %dma_wait3A_120 = tpu.memref_slice %arg16[%dma_wait3A_118, %dma_wait3A_119] : memref<10240x16xf32, #tpu.memory_space<vmem_shared>> -> memref<10240x16xf32, #tpu.memory_space<vmem_shared>>
    tpu.wait_indirect_dma semaphore(%arg21 : memref<!tpu.dma_semaphore, #tpu.memory_space<semaphore_mem>>) src(%dma_wait3A_117 : memref<2488x16xf32, #tpu.memory_space<vmem>>) dst(%dma_wait3A_120 : memref<10240x16xf32, #tpu.memory_space<vmem_shared>>)
    %barrier3A_121 = arith.constant 0 : index
    tpu.barrier barrier_id(%barrier3A_121)
    %mul3A_122 = arith.constant 640 : i32
    %mul3A_123 = arith.muli %arg1, %mul3A_122 : i32
    %mul3A_124 = arith.constant 640 : i32
    %mul3A_125 = arith.muli %arg1, %mul3A_124 : i32
    "tpu.region"() ({
      %run_scoped3A = tpu.sem_alloc : memref<!tpu.dma_semaphore, #tpu.memory_space<semaphore_mem>>
      %dma_start3A_126 = arith.constant 0 : i32
      %dma_start3A_127 = tpu.memref_slice %arg5[%arg0, %mul3A_125, %dma_start3A_126] : memref<2x10240x16xf32, #tpu.memory_space<hbm>> -> memref<1x640x16xf32, #tpu.memory_space<hbm>>
      %dma_start3A_128 = tpu.memref_squeeze %dma_start3A_127 : memref<1x640x16xf32, #tpu.memory_space<hbm>> -> memref<640x16xf32, #tpu.memory_space<hbm>>
      %dma_start3A_129 = arith.constant 0 : i32
      %dma_start3A_130 = tpu.memref_slice %arg16[%mul3A_123, %dma_start3A_129] : memref<10240x16xf32, #tpu.memory_space<vmem_shared>> -> memref<640x16xf32, #tpu.memory_space<vmem_shared>>
      tpu.enqueue_dma source(%dma_start3A_130 : memref<640x16xf32, #tpu.memory_space<vmem_shared>>) target(%dma_start3A_128 : memref<640x16xf32, #tpu.memory_space<hbm>>) target_semaphore(%run_scoped3A : memref<!tpu.dma_semaphore, #tpu.memory_space<semaphore_mem>>)
      %dma_wait3A_131 = arith.constant 0 : i32
      %dma_wait3A_132 = tpu.memref_slice %arg5[%arg0, %mul3A_125, %dma_wait3A_131] : memref<2x10240x16xf32, #tpu.memory_space<hbm>> -> memref<1x640x16xf32, #tpu.memory_space<hbm>>
      %dma_wait3A_133 = tpu.memref_squeeze %dma_wait3A_132 : memref<1x640x16xf32, #tpu.memory_space<hbm>> -> memref<640x16xf32, #tpu.memory_space<hbm>>
      %dma_wait3A_134 = arith.constant 0 : i32
      %dma_wait3A_135 = tpu.memref_slice %arg16[%mul3A_123, %dma_wait3A_134] : memref<10240x16xf32, #tpu.memory_space<vmem_shared>> -> memref<640x16xf32, #tpu.memory_space<vmem_shared>>
      tpu.wait_dma2 semaphore(%run_scoped3A : memref<!tpu.dma_semaphore, #tpu.memory_space<semaphore_mem>>) src(%dma_wait3A_135 : memref<640x16xf32, #tpu.memory_space<vmem_shared>>) dst(%dma_wait3A_133 : memref<640x16xf32, #tpu.memory_space<hbm>>)
      tpu.yield
    }) : () -> ()
    return
  }
}

#map = affine_map<(d0, d1) -> (0)>
#map1 = affine_map<(d0, d1) -> (0, 0)>
module attributes {stable_mosaic.version = 14 : i64} {
  func.func @deg_kernel(%arg0: i32, %arg1: i32, %arg2: memref<640000xi32, #tpu.memory_space<hbm>>, %arg3: memref<2x10240xf32, #tpu.memory_space<hbm>>, %arg4: memref<10000xi32, #tpu.memory_space<vmem>>, %arg5: memref<10000xf32, #tpu.memory_space<vmem>>, %arg6: memref<640xf32, #tpu.memory_space<vmem>>, %arg7: memref<10240xf32, #tpu.memory_space<vmem_shared>>, %arg8: memref<!tpu.dma_semaphore, #tpu.memory_space<semaphore_mem>>) attributes {dimension_semantics = [#tpu.dimension_semantics<core_parallel>, #tpu.dimension_semantics<subcore_parallel>], iteration_bounds = array<i64: 2, 16>, scalar_prefetch = 0 : i64, scratch_operands = 5 : i64, tpu.core_type = #tpu.core_type<sc_vector_subcore>, window_params = [{transform_indices = #map}, {transform_indices = #map1}]} {
    %mul3A = arith.constant 16 : i32
    %mul3A_0 = arith.muli %arg0, %mul3A : i32
    %add3A = arith.addi %mul3A_0, %arg1 : i32
    %mul3A_1 = arith.constant 10000 : i32
    %mul3A_2 = arith.muli %add3A, %mul3A_1 : i32
    %add3A_3 = arith.constant 320000 : i32
    %add3A_4 = arith.addi %add3A_3, %mul3A_2 : i32
    %dma_start3A = tpu.memref_slice %arg2[%add3A_4] : memref<640000xi32, #tpu.memory_space<hbm>> -> memref<10000xi32, #tpu.memory_space<hbm>>
    %dma_start3A_5 = tpu.memref_slice %arg2[%add3A_4] : memref<640000xi32, #tpu.memory_space<hbm>> -> memref<10000xi32, #tpu.memory_space<hbm>>
    tpu.enqueue_dma source(%dma_start3A_5 : memref<10000xi32, #tpu.memory_space<hbm>>) target(%arg4 : memref<10000xi32, #tpu.memory_space<vmem>>) target_semaphore(%arg8 : memref<!tpu.dma_semaphore, #tpu.memory_space<semaphore_mem>>)
    %broadcast_in_dim3A = arith.constant 0.000000e+00 : f32
    %broadcast_in_dim3A_6 = vector.broadcast %broadcast_in_dim3A : f32 to vector<16xf32>
    %scan3A = arith.constant 0 : i32
    %scan3A_7 = arith.constant 0 : i32
    %scan3A_8 = arith.constant 40 : i32
    %scan3A_9 = arith.addi %scan3A_7, %scan3A_8 : i32
    %scan3A_10 = arith.constant 1 : i32
    scf.for %scan3A_28 = %scan3A_7 to %scan3A_9 step %scan3A_10  : i32 {
      %mul3A_29 = arith.constant 16 : i32
      %mul3A_30 = arith.muli %scan3A_28, %mul3A_29 : i32
      %swap3A = arith.index_cast %mul3A_30 : i32 to index
      %swap3A_31 = tpu.vector_load %arg6[%swap3A] {strides = array<i32>} : memref<640xf32, #tpu.memory_space<vmem>>, vector<16xf32>,
      %swap3A_32 = vector.shape_cast %swap3A_31 : vector<16xf32> to vector<16xf32>
      %swap3A_33 = vector.shape_cast %broadcast_in_dim3A_6 : vector<16xf32> to vector<16xf32>
      tpu.vector_store %arg6[%swap3A], %swap3A_33 {strides = array<i32>} : memref<640xf32, #tpu.memory_space<vmem>>, vector<16xf32>,
    }
    %scan3A_11 = arith.constant 40 : i32
    %broadcast_in_dim3A_12 = arith.constant 1.000000e+00 : f32
    %broadcast_in_dim3A_13 = vector.broadcast %broadcast_in_dim3A_12 : f32 to vector<16xf32>
    %scan3A_14 = arith.constant 0 : i32
    %scan3A_15 = arith.constant 0 : i32
    %scan3A_16 = arith.constant 625 : i32
    %scan3A_17 = arith.addi %scan3A_15, %scan3A_16 : i32
    %scan3A_18 = arith.constant 1 : i32
    scf.for %scan3A_28 = %scan3A_15 to %scan3A_17 step %scan3A_18  : i32 {
      %mul3A_29 = arith.constant 16 : i32
      %mul3A_30 = arith.muli %scan3A_28, %mul3A_29 : i32
      %swap3A = arith.index_cast %mul3A_30 : i32 to index
      %swap3A_31 = tpu.vector_load %arg5[%swap3A] {strides = array<i32>} : memref<10000xf32, #tpu.memory_space<vmem>>, vector<16xf32>,
      %swap3A_32 = vector.shape_cast %swap3A_31 : vector<16xf32> to vector<16xf32>
      %swap3A_33 = vector.shape_cast %broadcast_in_dim3A_13 : vector<16xf32> to vector<16xf32>
      tpu.vector_store %arg5[%swap3A], %swap3A_33 {strides = array<i32>} : memref<10000xf32, #tpu.memory_space<vmem>>, vector<16xf32>,
    }
    %scan3A_19 = arith.constant 625 : i32
    %mul3A_20 = arith.constant 640 : i32
    %mul3A_21 = arith.muli %arg1, %mul3A_20 : i32
    "tpu.region"() ({
      %run_scoped3A = tpu.sem_alloc : memref<!tpu.dma_semaphore, #tpu.memory_space<semaphore_mem>>
      %dma_start3A_28 = tpu.memref_slice %arg7[%mul3A_21] : memref<10240xf32, #tpu.memory_space<vmem_shared>> -> memref<640xf32, #tpu.memory_space<vmem_shared>>
      %dma_start3A_29 = tpu.memref_slice %arg7[%mul3A_21] : memref<10240xf32, #tpu.memory_space<vmem_shared>> -> memref<640xf32, #tpu.memory_space<vmem_shared>>
      tpu.enqueue_dma source(%arg6 : memref<640xf32, #tpu.memory_space<vmem>>) target(%dma_start3A_29 : memref<640xf32, #tpu.memory_space<vmem_shared>>) target_semaphore(%run_scoped3A : memref<!tpu.dma_semaphore, #tpu.memory_space<semaphore_mem>>)
      %dma_wait3A_30 = tpu.memref_slice %arg7[%mul3A_21] : memref<10240xf32, #tpu.memory_space<vmem_shared>> -> memref<640xf32, #tpu.memory_space<vmem_shared>>
      %dma_wait3A_31 = tpu.memref_slice %arg7[%mul3A_21] : memref<10240xf32, #tpu.memory_space<vmem_shared>> -> memref<640xf32, #tpu.memory_space<vmem_shared>>
      tpu.wait_dma2 semaphore(%run_scoped3A : memref<!tpu.dma_semaphore, #tpu.memory_space<semaphore_mem>>) src(%arg6 : memref<640xf32, #tpu.memory_space<vmem>>) dst(%dma_wait3A_31 : memref<640xf32, #tpu.memory_space<vmem_shared>>)
      tpu.yield
    }) : () -> ()
    %barrier3A = arith.constant 0 : index
    tpu.barrier barrier_id(%barrier3A)
    %dma_wait3A = tpu.memref_slice %arg2[%add3A_4] : memref<640000xi32, #tpu.memory_space<hbm>> -> memref<10000xi32, #tpu.memory_space<hbm>>
    %dma_wait3A_22 = tpu.memref_slice %arg2[%add3A_4] : memref<640000xi32, #tpu.memory_space<hbm>> -> memref<10000xi32, #tpu.memory_space<hbm>>
    tpu.wait_dma2 semaphore(%arg8 : memref<!tpu.dma_semaphore, #tpu.memory_space<semaphore_mem>>) src(%dma_wait3A_22 : memref<10000xi32, #tpu.memory_space<hbm>>) dst(%arg4 : memref<10000xi32, #tpu.memory_space<vmem>>)
    "tpu.region"() ({
      %run_scoped3A = tpu.sem_alloc : memref<!tpu.dma_semaphore, #tpu.memory_space<semaphore_mem>>
      %dma_start3A_28 = arith.constant 0 : i32
      %dma_start3A_29 = tpu.memref_slice %arg7[%dma_start3A_28] : memref<10240xf32, #tpu.memory_space<vmem_shared>> -> memref<10240xf32, #tpu.memory_space<vmem_shared>>
      tpu.enqueue_indirect_dma source(%arg5 : memref<10000xf32, #tpu.memory_space<vmem>>) target(%dma_start3A_29 : memref<10240xf32, #tpu.memory_space<vmem_shared>>) offsets(%arg4 : memref<10000xi32, #tpu.memory_space<vmem>>) semaphore(%run_scoped3A : memref<!tpu.dma_semaphore, #tpu.memory_space<semaphore_mem>>) {add = true}
      %dma_wait3A_30 = arith.constant 0 : i32
      %dma_wait3A_31 = tpu.memref_slice %arg7[%dma_wait3A_30] : memref<10240xf32, #tpu.memory_space<vmem_shared>> -> memref<10240xf32, #tpu.memory_space<vmem_shared>>
      tpu.wait_indirect_dma semaphore(%run_scoped3A : memref<!tpu.dma_semaphore, #tpu.memory_space<semaphore_mem>>) src(%arg5 : memref<10000xf32, #tpu.memory_space<vmem>>) dst(%dma_wait3A_31 : memref<10240xf32, #tpu.memory_space<vmem_shared>>)
      tpu.yield
    }) : () -> ()
    %barrier3A_23 = arith.constant 0 : index
    tpu.barrier barrier_id(%barrier3A_23)
    %mul3A_24 = arith.constant 640 : i32
    %mul3A_25 = arith.muli %arg1, %mul3A_24 : i32
    %mul3A_26 = arith.constant 640 : i32
    %mul3A_27 = arith.muli %arg1, %mul3A_26 : i32
    "tpu.region"() ({
      %run_scoped3A = tpu.sem_alloc : memref<!tpu.dma_semaphore, #tpu.memory_space<semaphore_mem>>
      %dma_start3A_28 = tpu.memref_slice %arg3[%arg0, %mul3A_27] : memref<2x10240xf32, #tpu.memory_space<hbm>> -> memref<1x640xf32, #tpu.memory_space<hbm>>
      %dma_start3A_29 = tpu.memref_squeeze %dma_start3A_28 : memref<1x640xf32, #tpu.memory_space<hbm>> -> memref<640xf32, #tpu.memory_space<hbm>>
      %dma_start3A_30 = tpu.memref_slice %arg7[%mul3A_25] : memref<10240xf32, #tpu.memory_space<vmem_shared>> -> memref<640xf32, #tpu.memory_space<vmem_shared>>
      tpu.enqueue_dma source(%dma_start3A_30 : memref<640xf32, #tpu.memory_space<vmem_shared>>) target(%dma_start3A_29 : memref<640xf32, #tpu.memory_space<hbm>>) target_semaphore(%run_scoped3A : memref<!tpu.dma_semaphore, #tpu.memory_space<semaphore_mem>>)
      %dma_wait3A_31 = tpu.memref_slice %arg3[%arg0, %mul3A_27] : memref<2x10240xf32, #tpu.memory_space<hbm>> -> memref<1x640xf32, #tpu.memory_space<hbm>>
      %dma_wait3A_32 = tpu.memref_squeeze %dma_wait3A_31 : memref<1x640xf32, #tpu.memory_space<hbm>> -> memref<640xf32, #tpu.memory_space<hbm>>
      %dma_wait3A_33 = tpu.memref_slice %arg7[%mul3A_25] : memref<10240xf32, #tpu.memory_space<vmem_shared>> -> memref<640xf32, #tpu.memory_space<vmem_shared>>
      tpu.wait_dma2 semaphore(%run_scoped3A : memref<!tpu.dma_semaphore, #tpu.memory_space<semaphore_mem>>) src(%dma_wait3A_33 : memref<640xf32, #tpu.memory_space<vmem_shared>>) dst(%dma_wait3A_32 : memref<640xf32, #tpu.memory_space<hbm>>)
      tpu.yield
    }) : () -> ()
    return
  }
}

#map = affine_map<(d0, d1) -> (0)>
#map1 = affine_map<(d0, d1) -> (0, 0)>
#map2 = affine_map<(d0, d1) -> (0, 0, 0)>
module attributes {stable_mosaic.version = 14 : i64} {
  func.func @edge_kernel(%arg0: i32, %arg1: i32, %arg2: memref<640000xi32, #tpu.memory_space<hbm>>, %arg3: memref<10000x16xf32, #tpu.memory_space<hbm>>, %arg4: memref<10240x16xf32, #tpu.memory_space<hbm>>, %arg5: memref<2x10240x16xf32, #tpu.memory_space<hbm>>, %arg6: memref<2504xi32, #tpu.memory_space<vmem>>, %arg7: memref<2504xi32, #tpu.memory_space<vmem>>, %arg8: memref<2504xi32, #tpu.memory_space<vmem>>, %arg9: memref<2488xi32, #tpu.memory_space<vmem>>, %arg10: memref<2504xi32, #tpu.memory_space<vmem>>, %arg11: memref<2504xi32, #tpu.memory_space<vmem>>, %arg12: memref<2504xi32, #tpu.memory_space<vmem>>, %arg13: memref<2488xi32, #tpu.memory_space<vmem>>, %arg14: memref<2504x16xf32, #tpu.memory_space<vmem>>, %arg15: memref<2504x16xf32, #tpu.memory_space<vmem>>, %arg16: memref<10240x16xf32, #tpu.memory_space<vmem_shared>>, %arg17: memref<!tpu.dma_semaphore, #tpu.memory_space<semaphore_mem>>, %arg18: memref<!tpu.dma_semaphore, #tpu.memory_space<semaphore_mem>>, %arg19: memref<!tpu.dma_semaphore, #tpu.memory_space<semaphore_mem>>, %arg20: memref<!tpu.dma_semaphore, #tpu.memory_space<semaphore_mem>>, %arg21: memref<!tpu.dma_semaphore, #tpu.memory_space<semaphore_mem>>) attributes {dimension_semantics = [#tpu.dimension_semantics<core_parallel>, #tpu.dimension_semantics<subcore_parallel>], iteration_bounds = array<i64: 2, 16>, scalar_prefetch = 0 : i64, scratch_operands = 16 : i64, tpu.core_type = #tpu.core_type<sc_vector_subcore>, window_params = [{transform_indices = #map}, {transform_indices = #map1}, {transform_indices = #map1}, {transform_indices = #map2}]} {
    %mul3A = arith.constant 16 : i32
    %mul3A_0 = arith.muli %arg0, %mul3A : i32
    %add3A = arith.addi %mul3A_0, %arg1 : i32
    %mul3A_1 = arith.constant 10000 : i32
    %mul3A_2 = arith.muli %add3A, %mul3A_1 : i32
    %dma_start3A = tpu.memref_slice %arg2[%mul3A_2] : memref<640000xi32, #tpu.memory_space<hbm>> -> memref<2504xi32, #tpu.memory_space<hbm>>
    %dma_start3A_3 = tpu.memref_slice %arg2[%mul3A_2] : memref<640000xi32, #tpu.memory_space<hbm>> -> memref<2504xi32, #tpu.memory_space<hbm>>
    tpu.enqueue_dma source(%dma_start3A_3 : memref<2504xi32, #tpu.memory_space<hbm>>) target(%arg6 : memref<2504xi32, #tpu.memory_space<vmem>>) target_semaphore(%arg17 : memref<!tpu.dma_semaphore, #tpu.memory_space<semaphore_mem>>)
    %mul3A_4 = arith.constant 640 : i32
    %mul3A_5 = arith.muli %arg1, %mul3A_4 : i32
    %mul3A_6 = arith.constant 640 : i32
    %mul3A_7 = arith.muli %arg1, %mul3A_6 : i32
    %dma_start3A_8 = arith.constant 0 : i32
    %dma_start3A_9 = tpu.memref_slice %arg16[%mul3A_7, %dma_start3A_8] : memref<10240x16xf32, #tpu.memory_space<vmem_shared>> -> memref<640x16xf32, #tpu.memory_space<vmem_shared>>
    %dma_start3A_10 = arith.constant 0 : i32
    %dma_start3A_11 = tpu.memref_slice %arg4[%mul3A_5, %dma_start3A_10] : memref<10240x16xf32, #tpu.memory_space<hbm>> -> memref<640x16xf32, #tpu.memory_space<hbm>>
    tpu.enqueue_dma source(%dma_start3A_11 : memref<640x16xf32, #tpu.memory_space<hbm>>) target(%dma_start3A_9 : memref<640x16xf32, #tpu.memory_space<vmem_shared>>) target_semaphore(%arg17 : memref<!tpu.dma_semaphore, #tpu.memory_space<semaphore_mem>>)
    %add3A_12 = arith.constant 0 : i32
    %add3A_13 = arith.addi %mul3A_2, %add3A_12 : i32
    %add3A_14 = arith.constant 320000 : i32
    %add3A_15 = arith.addi %add3A_14, %add3A_13 : i32
    %dma_start3A_16 = tpu.memref_slice %arg2[%add3A_15] : memref<640000xi32, #tpu.memory_space<hbm>> -> memref<2504xi32, #tpu.memory_space<hbm>>
    %dma_start3A_17 = tpu.memref_slice %arg2[%add3A_15] : memref<640000xi32, #tpu.memory_space<hbm>> -> memref<2504xi32, #tpu.memory_space<hbm>>
    tpu.enqueue_dma source(%dma_start3A_17 : memref<2504xi32, #tpu.memory_space<hbm>>) target(%arg10 : memref<2504xi32, #tpu.memory_space<vmem>>) target_semaphore(%arg17 : memref<!tpu.dma_semaphore, #tpu.memory_space<semaphore_mem>>)
    %add3A_18 = arith.constant 2504 : i32
    %add3A_19 = arith.addi %mul3A_2, %add3A_18 : i32
    %dma_start3A_20 = tpu.memref_slice %arg2[%add3A_19] : memref<640000xi32, #tpu.memory_space<hbm>> -> memref<2504xi32, #tpu.memory_space<hbm>>
    %dma_start3A_21 = tpu.memref_slice %arg2[%add3A_19] : memref<640000xi32, #tpu.memory_space<hbm>> -> memref<2504xi32, #tpu.memory_space<hbm>>
    tpu.enqueue_dma source(%dma_start3A_21 : memref<2504xi32, #tpu.memory_space<hbm>>) target(%arg7 : memref<2504xi32, #tpu.memory_space<vmem>>) target_semaphore(%arg17 : memref<!tpu.dma_semaphore, #tpu.memory_space<semaphore_mem>>)
    %add3A_22 = arith.constant 320000 : i32
    %add3A_23 = arith.addi %add3A_22, %add3A_19 : i32
    %dma_start3A_24 = tpu.memref_slice %arg2[%add3A_23] : memref<640000xi32, #tpu.memory_space<hbm>> -> memref<2504xi32, #tpu.memory_space<hbm>>
    %dma_start3A_25 = tpu.memref_slice %arg2[%add3A_23] : memref<640000xi32, #tpu.memory_space<hbm>> -> memref<2504xi32, #tpu.memory_space<hbm>>
    tpu.enqueue_dma source(%dma_start3A_25 : memref<2504xi32, #tpu.memory_space<hbm>>) target(%arg11 : memref<2504xi32, #tpu.memory_space<vmem>>) target_semaphore(%arg17 : memref<!tpu.dma_semaphore, #tpu.memory_space<semaphore_mem>>)
    %add3A_26 = arith.constant 5008 : i32
    %add3A_27 = arith.addi %mul3A_2, %add3A_26 : i32
    %dma_start3A_28 = tpu.memref_slice %arg2[%add3A_27] : memref<640000xi32, #tpu.memory_space<hbm>> -> memref<2504xi32, #tpu.memory_space<hbm>>
    %dma_start3A_29 = tpu.memref_slice %arg2[%add3A_27] : memref<640000xi32, #tpu.memory_space<hbm>> -> memref<2504xi32, #tpu.memory_space<hbm>>
    tpu.enqueue_dma source(%dma_start3A_29 : memref<2504xi32, #tpu.memory_space<hbm>>) target(%arg8 : memref<2504xi32, #tpu.memory_space<vmem>>) target_semaphore(%arg17 : memref<!tpu.dma_semaphore, #tpu.memory_space<semaphore_mem>>)
    %add3A_30 = arith.constant 320000 : i32
    %add3A_31 = arith.addi %add3A_30, %add3A_27 : i32
    %dma_start3A_32 = tpu.memref_slice %arg2[%add3A_31] : memref<640000xi32, #tpu.memory_space<hbm>> -> memref<2504xi32, #tpu.memory_space<hbm>>
    %dma_start3A_33 = tpu.memref_slice %arg2[%add3A_31] : memref<640000xi32, #tpu.memory_space<hbm>> -> memref<2504xi32, #tpu.memory_space<hbm>>
    tpu.enqueue_dma source(%dma_start3A_33 : memref<2504xi32, #tpu.memory_space<hbm>>) target(%arg12 : memref<2504xi32, #tpu.memory_space<vmem>>) target_semaphore(%arg17 : memref<!tpu.dma_semaphore, #tpu.memory_space<semaphore_mem>>)
    %add3A_34 = arith.constant 7512 : i32
    %add3A_35 = arith.addi %mul3A_2, %add3A_34 : i32
    %dma_start3A_36 = tpu.memref_slice %arg2[%add3A_35] : memref<640000xi32, #tpu.memory_space<hbm>> -> memref<2488xi32, #tpu.memory_space<hbm>>
    %dma_start3A_37 = tpu.memref_slice %arg2[%add3A_35] : memref<640000xi32, #tpu.memory_space<hbm>> -> memref<2488xi32, #tpu.memory_space<hbm>>
    tpu.enqueue_dma source(%dma_start3A_37 : memref<2488xi32, #tpu.memory_space<hbm>>) target(%arg9 : memref<2488xi32, #tpu.memory_space<vmem>>) target_semaphore(%arg17 : memref<!tpu.dma_semaphore, #tpu.memory_space<semaphore_mem>>)
    %add3A_38 = arith.constant 320000 : i32
    %add3A_39 = arith.addi %add3A_38, %add3A_35 : i32
    %dma_start3A_40 = tpu.memref_slice %arg2[%add3A_39] : memref<640000xi32, #tpu.memory_space<hbm>> -> memref<2488xi32, #tpu.memory_space<hbm>>
    %dma_start3A_41 = tpu.memref_slice %arg2[%add3A_39] : memref<640000xi32, #tpu.memory_space<hbm>> -> memref<2488xi32, #tpu.memory_space<hbm>>
    tpu.enqueue_dma source(%dma_start3A_41 : memref<2488xi32, #tpu.memory_space<hbm>>) target(%arg13 : memref<2488xi32, #tpu.memory_space<vmem>>) target_semaphore(%arg17 : memref<!tpu.dma_semaphore, #tpu.memory_space<semaphore_mem>>)
    %dma_wait3A = tpu.memref_slice %arg2[%mul3A_2] : memref<640000xi32, #tpu.memory_space<hbm>> -> memref<2504xi32, #tpu.memory_space<hbm>>
    %dma_wait3A_42 = tpu.memref_slice %arg2[%mul3A_2] : memref<640000xi32, #tpu.memory_space<hbm>> -> memref<2504xi32, #tpu.memory_space<hbm>>
    tpu.wait_dma2 semaphore(%arg17 : memref<!tpu.dma_semaphore, #tpu.memory_space<semaphore_mem>>) src(%dma_wait3A_42 : memref<2504xi32, #tpu.memory_space<hbm>>) dst(%arg6 : memref<2504xi32, #tpu.memory_space<vmem>>)
    %dma_start3A_43 = arith.constant 0 : i32
    %dma_start3A_44 = arith.constant 0 : i32
    %dma_start3A_45 = tpu.memref_slice %arg3[%dma_start3A_43, %dma_start3A_44] : memref<10000x16xf32, #tpu.memory_space<hbm>> -> memref<10000x16xf32, #tpu.memory_space<hbm>>
    tpu.enqueue_indirect_dma source(%dma_start3A_45 : memref<10000x16xf32, #tpu.memory_space<hbm>>) target(%arg14 : memref<2504x16xf32, #tpu.memory_space<vmem>>) offsets(%arg6 : memref<2504xi32, #tpu.memory_space<vmem>>) semaphore(%arg18 : memref<!tpu.dma_semaphore, #tpu.memory_space<semaphore_mem>>)
    %dma_wait3A_46 = arith.constant 0 : i32
    %dma_wait3A_47 = tpu.memref_slice %arg16[%mul3A_7, %dma_wait3A_46] : memref<10240x16xf32, #tpu.memory_space<vmem_shared>> -> memref<640x16xf32, #tpu.memory_space<vmem_shared>>
    %dma_wait3A_48 = arith.constant 0 : i32
    %dma_wait3A_49 = tpu.memref_slice %arg4[%mul3A_5, %dma_wait3A_48] : memref<10240x16xf32, #tpu.memory_space<hbm>> -> memref<640x16xf32, #tpu.memory_space<hbm>>
    tpu.wait_dma2 semaphore(%arg17 : memref<!tpu.dma_semaphore, #tpu.memory_space<semaphore_mem>>) src(%dma_wait3A_49 : memref<640x16xf32, #tpu.memory_space<hbm>>) dst(%dma_wait3A_47 : memref<640x16xf32, #tpu.memory_space<vmem_shared>>)
    %dma_wait3A_50 = tpu.memref_slice %arg2[%add3A_15] : memref<640000xi32, #tpu.memory_space<hbm>> -> memref<2504xi32, #tpu.memory_space<hbm>>
    %dma_wait3A_51 = tpu.memref_slice %arg2[%add3A_15] : memref<640000xi32, #tpu.memory_space<hbm>> -> memref<2504xi32, #tpu.memory_space<hbm>>
    tpu.wait_dma2 semaphore(%arg17 : memref<!tpu.dma_semaphore, #tpu.memory_space<semaphore_mem>>) src(%dma_wait3A_51 : memref<2504xi32, #tpu.memory_space<hbm>>) dst(%arg10 : memref<2504xi32, #tpu.memory_space<vmem>>)
    %dma_wait3A_52 = tpu.memref_slice %arg2[%add3A_19] : memref<640000xi32, #tpu.memory_space<hbm>> -> memref<2504xi32, #tpu.memory_space<hbm>>
    %dma_wait3A_53 = tpu.memref_slice %arg2[%add3A_19] : memref<640000xi32, #tpu.memory_space<hbm>> -> memref<2504xi32, #tpu.memory_space<hbm>>
    tpu.wait_dma2 semaphore(%arg17 : memref<!tpu.dma_semaphore, #tpu.memory_space<semaphore_mem>>) src(%dma_wait3A_53 : memref<2504xi32, #tpu.memory_space<hbm>>) dst(%arg7 : memref<2504xi32, #tpu.memory_space<vmem>>)
    %dma_wait3A_54 = tpu.memref_slice %arg2[%add3A_23] : memref<640000xi32, #tpu.memory_space<hbm>> -> memref<2504xi32, #tpu.memory_space<hbm>>
    %dma_wait3A_55 = tpu.memref_slice %arg2[%add3A_23] : memref<640000xi32, #tpu.memory_space<hbm>> -> memref<2504xi32, #tpu.memory_space<hbm>>
    tpu.wait_dma2 semaphore(%arg17 : memref<!tpu.dma_semaphore, #tpu.memory_space<semaphore_mem>>) src(%dma_wait3A_55 : memref<2504xi32, #tpu.memory_space<hbm>>) dst(%arg11 : memref<2504xi32, #tpu.memory_space<vmem>>)
    %dma_wait3A_56 = tpu.memref_slice %arg2[%add3A_27] : memref<640000xi32, #tpu.memory_space<hbm>> -> memref<2504xi32, #tpu.memory_space<hbm>>
    %dma_wait3A_57 = tpu.memref_slice %arg2[%add3A_27] : memref<640000xi32, #tpu.memory_space<hbm>> -> memref<2504xi32, #tpu.memory_space<hbm>>
    tpu.wait_dma2 semaphore(%arg17 : memref<!tpu.dma_semaphore, #tpu.memory_space<semaphore_mem>>) src(%dma_wait3A_57 : memref<2504xi32, #tpu.memory_space<hbm>>) dst(%arg8 : memref<2504xi32, #tpu.memory_space<vmem>>)
    %dma_wait3A_58 = tpu.memref_slice %arg2[%add3A_31] : memref<640000xi32, #tpu.memory_space<hbm>> -> memref<2504xi32, #tpu.memory_space<hbm>>
    %dma_wait3A_59 = tpu.memref_slice %arg2[%add3A_31] : memref<640000xi32, #tpu.memory_space<hbm>> -> memref<2504xi32, #tpu.memory_space<hbm>>
    tpu.wait_dma2 semaphore(%arg17 : memref<!tpu.dma_semaphore, #tpu.memory_space<semaphore_mem>>) src(%dma_wait3A_59 : memref<2504xi32, #tpu.memory_space<hbm>>) dst(%arg12 : memref<2504xi32, #tpu.memory_space<vmem>>)
    %dma_wait3A_60 = tpu.memref_slice %arg2[%add3A_35] : memref<640000xi32, #tpu.memory_space<hbm>> -> memref<2488xi32, #tpu.memory_space<hbm>>
    %dma_wait3A_61 = tpu.memref_slice %arg2[%add3A_35] : memref<640000xi32, #tpu.memory_space<hbm>> -> memref<2488xi32, #tpu.memory_space<hbm>>
    tpu.wait_dma2 semaphore(%arg17 : memref<!tpu.dma_semaphore, #tpu.memory_space<semaphore_mem>>) src(%dma_wait3A_61 : memref<2488xi32, #tpu.memory_space<hbm>>) dst(%arg9 : memref<2488xi32, #tpu.memory_space<vmem>>)
    %dma_wait3A_62 = tpu.memref_slice %arg2[%add3A_39] : memref<640000xi32, #tpu.memory_space<hbm>> -> memref<2488xi32, #tpu.memory_space<hbm>>
    %dma_wait3A_63 = tpu.memref_slice %arg2[%add3A_39] : memref<640000xi32, #tpu.memory_space<hbm>> -> memref<2488xi32, #tpu.memory_space<hbm>>
    tpu.wait_dma2 semaphore(%arg17 : memref<!tpu.dma_semaphore, #tpu.memory_space<semaphore_mem>>) src(%dma_wait3A_63 : memref<2488xi32, #tpu.memory_space<hbm>>) dst(%arg13 : memref<2488xi32, #tpu.memory_space<vmem>>)
    %barrier3A = arith.constant 0 : index
    tpu.barrier barrier_id(%barrier3A)
    %dma_wait3A_64 = arith.constant 0 : i32
    %dma_wait3A_65 = arith.constant 0 : i32
    %dma_wait3A_66 = tpu.memref_slice %arg3[%dma_wait3A_64, %dma_wait3A_65] : memref<10000x16xf32, #tpu.memory_space<hbm>> -> memref<10000x16xf32, #tpu.memory_space<hbm>>
    tpu.wait_indirect_dma semaphore(%arg18 : memref<!tpu.dma_semaphore, #tpu.memory_space<semaphore_mem>>) src(%dma_wait3A_66 : memref<10000x16xf32, #tpu.memory_space<hbm>>) dst(%arg14 : memref<2504x16xf32, #tpu.memory_space<vmem>>)
    %dma_start3A_67 = arith.constant 0 : i32
    %dma_start3A_68 = arith.constant 0 : i32
    %dma_start3A_69 = tpu.memref_slice %arg3[%dma_start3A_67, %dma_start3A_68] : memref<10000x16xf32, #tpu.memory_space<hbm>> -> memref<10000x16xf32, #tpu.memory_space<hbm>>
    tpu.enqueue_indirect_dma source(%dma_start3A_69 : memref<10000x16xf32, #tpu.memory_space<hbm>>) target(%arg15 : memref<2504x16xf32, #tpu.memory_space<vmem>>) offsets(%arg7 : memref<2504xi32, #tpu.memory_space<vmem>>) semaphore(%arg19 : memref<!tpu.dma_semaphore, #tpu.memory_space<semaphore_mem>>)
    %dma_start3A_70 = arith.constant 0 : i32
    %dma_start3A_71 = arith.constant 0 : i32
    %dma_start3A_72 = tpu.memref_slice %arg16[%dma_start3A_70, %dma_start3A_71] : memref<10240x16xf32, #tpu.memory_space<vmem_shared>> -> memref<10240x16xf32, #tpu.memory_space<vmem_shared>>
    tpu.enqueue_indirect_dma source(%arg14 : memref<2504x16xf32, #tpu.memory_space<vmem>>) target(%dma_start3A_72 : memref<10240x16xf32, #tpu.memory_space<vmem_shared>>) offsets(%arg10 : memref<2504xi32, #tpu.memory_space<vmem>>) semaphore(%arg20 : memref<!tpu.dma_semaphore, #tpu.memory_space<semaphore_mem>>) {add = true}
    %dma_wait3A_73 = arith.constant 0 : i32
    %dma_wait3A_74 = arith.constant 0 : i32
    %dma_wait3A_75 = tpu.memref_slice %arg3[%dma_wait3A_73, %dma_wait3A_74] : memref<10000x16xf32, #tpu.memory_space<hbm>> -> memref<10000x16xf32, #tpu.memory_space<hbm>>
    tpu.wait_indirect_dma semaphore(%arg19 : memref<!tpu.dma_semaphore, #tpu.memory_space<semaphore_mem>>) src(%dma_wait3A_75 : memref<10000x16xf32, #tpu.memory_space<hbm>>) dst(%arg15 : memref<2504x16xf32, #tpu.memory_space<vmem>>)
    %dma_wait3A_76 = arith.constant 0 : i32
    %dma_wait3A_77 = arith.constant 0 : i32
    %dma_wait3A_78 = tpu.memref_slice %arg16[%dma_wait3A_76, %dma_wait3A_77] : memref<10240x16xf32, #tpu.memory_space<vmem_shared>> -> memref<10240x16xf32, #tpu.memory_space<vmem_shared>>
    tpu.wait_indirect_dma semaphore(%arg20 : memref<!tpu.dma_semaphore, #tpu.memory_space<semaphore_mem>>) src(%arg14 : memref<2504x16xf32, #tpu.memory_space<vmem>>) dst(%dma_wait3A_78 : memref<10240x16xf32, #tpu.memory_space<vmem_shared>>)
    %dma_start3A_79 = arith.constant 0 : i32
    %dma_start3A_80 = arith.constant 0 : i32
    %dma_start3A_81 = tpu.memref_slice %arg3[%dma_start3A_79, %dma_start3A_80] : memref<10000x16xf32, #tpu.memory_space<hbm>> -> memref<10000x16xf32, #tpu.memory_space<hbm>>
    tpu.enqueue_indirect_dma source(%dma_start3A_81 : memref<10000x16xf32, #tpu.memory_space<hbm>>) target(%arg14 : memref<2504x16xf32, #tpu.memory_space<vmem>>) offsets(%arg8 : memref<2504xi32, #tpu.memory_space<vmem>>) semaphore(%arg18 : memref<!tpu.dma_semaphore, #tpu.memory_space<semaphore_mem>>)
    %dma_start3A_82 = arith.constant 0 : i32
    %dma_start3A_83 = arith.constant 0 : i32
    %dma_start3A_84 = tpu.memref_slice %arg16[%dma_start3A_82, %dma_start3A_83] : memref<10240x16xf32, #tpu.memory_space<vmem_shared>> -> memref<10240x16xf32, #tpu.memory_space<vmem_shared>>
    tpu.enqueue_indirect_dma source(%arg15 : memref<2504x16xf32, #tpu.memory_space<vmem>>) target(%dma_start3A_84 : memref<10240x16xf32, #tpu.memory_space<vmem_shared>>) offsets(%arg11 : memref<2504xi32, #tpu.memory_space<vmem>>) semaphore(%arg21 : memref<!tpu.dma_semaphore, #tpu.memory_space<semaphore_mem>>) {add = true}
    %dma_wait3A_85 = arith.constant 0 : i32
    %dma_wait3A_86 = arith.constant 0 : i32
    %dma_wait3A_87 = tpu.memref_slice %arg3[%dma_wait3A_85, %dma_wait3A_86] : memref<10000x16xf32, #tpu.memory_space<hbm>> -> memref<10000x16xf32, #tpu.memory_space<hbm>>
    tpu.wait_indirect_dma semaphore(%arg18 : memref<!tpu.dma_semaphore, #tpu.memory_space<semaphore_mem>>) src(%dma_wait3A_87 : memref<10000x16xf32, #tpu.memory_space<hbm>>) dst(%arg14 : memref<2504x16xf32, #tpu.memory_space<vmem>>)
    %dma_wait3A_88 = arith.constant 0 : i32
    %dma_wait3A_89 = arith.constant 0 : i32
    %dma_wait3A_90 = tpu.memref_slice %arg16[%dma_wait3A_88, %dma_wait3A_89] : memref<10240x16xf32, #tpu.memory_space<vmem_shared>> -> memref<10240x16xf32, #tpu.memory_space<vmem_shared>>
    tpu.wait_indirect_dma semaphore(%arg21 : memref<!tpu.dma_semaphore, #tpu.memory_space<semaphore_mem>>) src(%arg15 : memref<2504x16xf32, #tpu.memory_space<vmem>>) dst(%dma_wait3A_90 : memref<10240x16xf32, #tpu.memory_space<vmem_shared>>)
    %dma_start3A_91 = arith.constant 0 : i32
    %dma_start3A_92 = arith.constant 0 : i32
    %dma_start3A_93 = tpu.memref_slice %arg15[%dma_start3A_91, %dma_start3A_92] : memref<2504x16xf32, #tpu.memory_space<vmem>> -> memref<2488x16xf32, #tpu.memory_space<vmem>>
    %dma_start3A_94 = arith.constant 0 : i32
    %dma_start3A_95 = arith.constant 0 : i32
    %dma_start3A_96 = tpu.memref_slice %arg3[%dma_start3A_94, %dma_start3A_95] : memref<10000x16xf32, #tpu.memory_space<hbm>> -> memref<10000x16xf32, #tpu.memory_space<hbm>>
    tpu.enqueue_indirect_dma source(%dma_start3A_96 : memref<10000x16xf32, #tpu.memory_space<hbm>>) target(%dma_start3A_93 : memref<2488x16xf32, #tpu.memory_space<vmem>>) offsets(%arg9 : memref<2488xi32, #tpu.memory_space<vmem>>) semaphore(%arg19 : memref<!tpu.dma_semaphore, #tpu.memory_space<semaphore_mem>>)
    %dma_start3A_97 = arith.constant 0 : i32
    %dma_start3A_98 = arith.constant 0 : i32
    %dma_start3A_99 = tpu.memref_slice %arg16[%dma_start3A_97, %dma_start3A_98] : memref<10240x16xf32, #tpu.memory_space<vmem_shared>> -> memref<10240x16xf32, #tpu.memory_space<vmem_shared>>
    tpu.enqueue_indirect_dma source(%arg14 : memref<2504x16xf32, #tpu.memory_space<vmem>>) target(%dma_start3A_99 : memref<10240x16xf32, #tpu.memory_space<vmem_shared>>) offsets(%arg12 : memref<2504xi32, #tpu.memory_space<vmem>>) semaphore(%arg20 : memref<!tpu.dma_semaphore, #tpu.memory_space<semaphore_mem>>) {add = true}
    %dma_wait3A_100 = arith.constant 0 : i32
    %dma_wait3A_101 = arith.constant 0 : i32
    %dma_wait3A_102 = tpu.memref_slice %arg15[%dma_wait3A_100, %dma_wait3A_101] : memref<2504x16xf32, #tpu.memory_space<vmem>> -> memref<2488x16xf32, #tpu.memory_space<vmem>>
    %dma_wait3A_103 = arith.constant 0 : i32
    %dma_wait3A_104 = arith.constant 0 : i32
    %dma_wait3A_105 = tpu.memref_slice %arg3[%dma_wait3A_103, %dma_wait3A_104] : memref<10000x16xf32, #tpu.memory_space<hbm>> -> memref<10000x16xf32, #tpu.memory_space<hbm>>
    tpu.wait_indirect_dma semaphore(%arg19 : memref<!tpu.dma_semaphore, #tpu.memory_space<semaphore_mem>>) src(%dma_wait3A_105 : memref<10000x16xf32, #tpu.memory_space<hbm>>) dst(%dma_wait3A_102 : memref<2488x16xf32, #tpu.memory_space<vmem>>)
    %dma_start3A_106 = arith.constant 0 : i32
    %dma_start3A_107 = arith.constant 0 : i32
    %dma_start3A_108 = tpu.memref_slice %arg15[%dma_start3A_106, %dma_start3A_107] : memref<2504x16xf32, #tpu.memory_space<vmem>> -> memref<2488x16xf32, #tpu.memory_space<vmem>>
    %dma_start3A_109 = arith.constant 0 : i32
    %dma_start3A_110 = arith.constant 0 : i32
    %dma_start3A_111 = tpu.memref_slice %arg16[%dma_start3A_109, %dma_start3A_110] : memref<10240x16xf32, #tpu.memory_space<vmem_shared>> -> memref<10240x16xf32, #tpu.memory_space<vmem_shared>>
    tpu.enqueue_indirect_dma source(%dma_start3A_108 : memref<2488x16xf32, #tpu.memory_space<vmem>>) target(%dma_start3A_111 : memref<10240x16xf32, #tpu.memory_space<vmem_shared>>) offsets(%arg13 : memref<2488xi32, #tpu.memory_space<vmem>>) semaphore(%arg21 : memref<!tpu.dma_semaphore, #tpu.memory_space<semaphore_mem>>) {add = true}
    %dma_wait3A_112 = arith.constant 0 : i32
    %dma_wait3A_113 = arith.constant 0 : i32
    %dma_wait3A_114 = tpu.memref_slice %arg16[%dma_wait3A_112, %dma_wait3A_113] : memref<10240x16xf32, #tpu.memory_space<vmem_shared>> -> memref<10240x16xf32, #tpu.memory_space<vmem_shared>>
    tpu.wait_indirect_dma semaphore(%arg20 : memref<!tpu.dma_semaphore, #tpu.memory_space<semaphore_mem>>) src(%arg14 : memref<2504x16xf32, #tpu.memory_space<vmem>>) dst(%dma_wait3A_114 : memref<10240x16xf32, #tpu.memory_space<vmem_shared>>)
    %dma_wait3A_115 = arith.constant 0 : i32
    %dma_wait3A_116 = arith.constant 0 : i32
    %dma_wait3A_117 = tpu.memref_slice %arg15[%dma_wait3A_115, %dma_wait3A_116] : memref<2504x16xf32, #tpu.memory_space<vmem>> -> memref<2488x16xf32, #tpu.memory_space<vmem>>
    %dma_wait3A_118 = arith.constant 0 : i32
    %dma_wait3A_119 = arith.constant 0 : i32
    %dma_wait3A_120 = tpu.memref_slice %arg16[%dma_wait3A_118, %dma_wait3A_119] : memref<10240x16xf32, #tpu.memory_space<vmem_shared>> -> memref<10240x16xf32, #tpu.memory_space<vmem_shared>>
    tpu.wait_indirect_dma semaphore(%arg21 : memref<!tpu.dma_semaphore, #tpu.memory_space<semaphore_mem>>) src(%dma_wait3A_117 : memref<2488x16xf32, #tpu.memory_space<vmem>>) dst(%dma_wait3A_120 : memref<10240x16xf32, #tpu.memory_space<vmem_shared>>)
    %barrier3A_121 = arith.constant 0 : index
    tpu.barrier barrier_id(%barrier3A_121)
    %mul3A_122 = arith.constant 640 : i32
    %mul3A_123 = arith.muli %arg1, %mul3A_122 : i32
    %mul3A_124 = arith.constant 640 : i32
    %mul3A_125 = arith.muli %arg1, %mul3A_124 : i32
    "tpu.region"() ({
      %run_scoped3A = tpu.sem_alloc : memref<!tpu.dma_semaphore, #tpu.memory_space<semaphore_mem>>
      %dma_start3A_126 = arith.constant 0 : i32
      %dma_start3A_127 = tpu.memref_slice %arg5[%arg0, %mul3A_125, %dma_start3A_126] : memref<2x10240x16xf32, #tpu.memory_space<hbm>> -> memref<1x640x16xf32, #tpu.memory_space<hbm>>
      %dma_start3A_128 = tpu.memref_squeeze %dma_start3A_127 : memref<1x640x16xf32, #tpu.memory_space<hbm>> -> memref<640x16xf32, #tpu.memory_space<hbm>>
      %dma_start3A_129 = arith.constant 0 : i32
      %dma_start3A_130 = tpu.memref_slice %arg16[%mul3A_123, %dma_start3A_129] : memref<10240x16xf32, #tpu.memory_space<vmem_shared>> -> memref<640x16xf32, #tpu.memory_space<vmem_shared>>
      tpu.enqueue_dma source(%dma_start3A_130 : memref<640x16xf32, #tpu.memory_space<vmem_shared>>) target(%dma_start3A_128 : memref<640x16xf32, #tpu.memory_space<hbm>>) target_semaphore(%run_scoped3A : memref<!tpu.dma_semaphore, #tpu.memory_space<semaphore_mem>>)
      %dma_wait3A_131 = arith.constant 0 : i32
      %dma_wait3A_132 = tpu.memref_slice %arg5[%arg0, %mul3A_125, %dma_wait3A_131] : memref<2x10240x16xf32, #tpu.memory_space<hbm>> -> memref<1x640x16xf32, #tpu.memory_space<hbm>>
      %dma_wait3A_133 = tpu.memref_squeeze %dma_wait3A_132 : memref<1x640x16xf32, #tpu.memory_space<hbm>> -> memref<640x16xf32, #tpu.memory_space<hbm>>
      %dma_wait3A_134 = arith.constant 0 : i32
      %dma_wait3A_135 = tpu.memref_slice %arg16[%mul3A_123, %dma_wait3A_134] : memref<10240x16xf32, #tpu.memory_space<vmem_shared>> -> memref<640x16xf32, #tpu.memory_space<vmem_shared>>
      tpu.wait_dma2 semaphore(%run_scoped3A : memref<!tpu.dma_semaphore, #tpu.memory_space<semaphore_mem>>) src(%dma_wait3A_135 : memref<640x16xf32, #tpu.memory_space<vmem_shared>>) dst(%dma_wait3A_133 : memref<640x16xf32, #tpu.memory_space<hbm>>)
      tpu.yield
    }) : () -> ()
    return
  }
}

module attributes {stable_mosaic.version = 14 : i64} {
  func.func @_k2a_body(%arg0: memref<10000x128xf32, #tpu.memory_space<vmem>>, %arg1: memref<128x16xf32, #tpu.memory_space<vmem>>, %arg2: memref<10000x16xf32, #tpu.memory_space<vmem>>) attributes {dimension_semantics = [], scalar_prefetch = 0 : i64, scratch_operands = 0 : i64, tpu.core_type = #tpu.core_type<tc>} {
    %get3A = arith.constant 0 : index
    %get3A_0 = arith.constant 0 : index
    %get3A_1 = vector.load %arg0[%get3A, %get3A_0] : memref<10000x128xf32, #tpu.memory_space<vmem>>, vector<10000x128xf32>
    %get3A_2 = arith.constant 0 : index
    %get3A_3 = arith.constant 0 : index
    %get3A_4 = vector.load %arg1[%get3A_2, %get3A_3] : memref<128x16xf32, #tpu.memory_space<vmem>>, vector<128x16xf32>
    %dot_general3A = arith.constant dense<0.000000e+00> : vector<10000x16xf32>
    %dot_general3A_5 = tpu.matmul %get3A_1, %get3A_4, %dot_general3A {dimension_numbers = #tpu.dot_dimension_numbers<[1], [0], [0], [1], [0, 0, 1, 1], [], []>, transpose_lhs_hint = false} : vector<10000x128xf32>, vector<128x16xf32>, vector<10000x16xf32> -> vector<10000x16xf32>
    %swap3A = arith.constant 0 : index
    %swap3A_6 = arith.constant 0 : index
    %swap3A_7 = vector.load %arg2[%swap3A, %swap3A_6] : memref<10000x16xf32, #tpu.memory_space<vmem>>, vector<10000x16xf32>
    tpu.vector_store %arg2[%swap3A, %swap3A_6], %dot_general3A_5 {strides = array<i32>} : memref<10000x16xf32, #tpu.memory_space<vmem>>, vector<10000x16xf32>,
    return
  }
}

module attributes {stable_mosaic.version = 14 : i64} {
  func.func @_k6_body(%arg0: memref<20480x16xf32, #tpu.memory_space<vmem>>, %arg1: memref<10000x16xf32, #tpu.memory_space<vmem>>, %arg2: memref<10000x1xf32, #tpu.memory_space<vmem>>, %arg3: memref<16x5xf32, #tpu.memory_space<vmem>>, %arg4: memref<1x5xf32, #tpu.memory_space<vmem>>, %arg5: memref<5x32xf32, #tpu.memory_space<vmem>>, %arg6: memref<1x32xf32, #tpu.memory_space<vmem>>, %arg7: memref<32x5xf32, #tpu.memory_space<vmem>>, %arg8: memref<1x5xf32, #tpu.memory_space<vmem>>, %arg9: memref<10000x5xf32, #tpu.memory_space<vmem>>) attributes {dimension_semantics = [], scalar_prefetch = 0 : i64, scratch_operands = 0 : i64, tpu.core_type = #tpu.core_type<tc>} {
    %get3A = arith.constant 0 : index
    %get3A_0 = arith.constant 0 : index
    %get3A_1 = vector.load %arg2[%get3A, %get3A_0] : memref<10000x1xf32, #tpu.memory_space<vmem>>, vector<10000x1xf32>
    %get3A_2 = arith.constant 0 : index
    %get3A_3 = arith.constant 0 : index
    %get3A_4 = vector.load %arg0[%get3A_2, %get3A_3] : memref<20480x16xf32, #tpu.memory_space<vmem>>, vector<10000x16xf32>
    %get3A_5 = arith.constant 10240 : index
    %get3A_6 = arith.constant 0 : index
    %get3A_7 = vector.load %arg0[%get3A_5, %get3A_6] : memref<20480x16xf32, #tpu.memory_space<vmem>>, vector<10000x16xf32>
    %add3A = arith.addf %get3A_4, %get3A_7 : vector<10000x16xf32>
    %get3A_8 = arith.constant 0 : index
    %get3A_9 = arith.constant 0 : index
    %get3A_10 = vector.load %arg1[%get3A_8, %get3A_9] : memref<10000x16xf32, #tpu.memory_space<vmem>>, vector<10000x16xf32>
    %add3A_11 = arith.addf %add3A, %get3A_10 : vector<10000x16xf32>
    %mul3A = vector.broadcast %get3A_1 : vector<10000x1xf32> to vector<10000x16xf32>
    %mul3A_12 = arith.mulf %mul3A, %add3A_11 : vector<10000x16xf32>
    %get3A_13 = arith.constant 0 : index
    %get3A_14 = arith.constant 0 : index
    %get3A_15 = vector.load %arg3[%get3A_13, %get3A_14] : memref<16x5xf32, #tpu.memory_space<vmem>>, vector<16x5xf32>
    %get3A_16 = arith.constant 0 : index
    %get3A_17 = arith.constant 0 : index
    %get3A_18 = vector.load %arg5[%get3A_16, %get3A_17] : memref<5x32xf32, #tpu.memory_space<vmem>>, vector<5x32xf32>
    %dot_general3A = arith.constant dense<0.000000e+00> : vector<16x32xf32>
    %dot_general3A_19 = tpu.matmul %get3A_15, %get3A_18, %dot_general3A {dimension_numbers = #tpu.dot_dimension_numbers<[1], [0], [0], [1], [0, 0, 1, 1], [], []>, transpose_lhs_hint = false} : vector<16x5xf32>, vector<5x32xf32>, vector<16x32xf32> -> vector<16x32xf32>
    %get3A_20 = arith.constant 0 : index
    %get3A_21 = arith.constant 0 : index
    %get3A_22 = vector.load %arg4[%get3A_20, %get3A_21] : memref<1x5xf32, #tpu.memory_space<vmem>>, vector<1x5xf32>
    %get3A_23 = arith.constant 0 : index
    %get3A_24 = arith.constant 0 : index
    %get3A_25 = vector.load %arg5[%get3A_23, %get3A_24] : memref<5x32xf32, #tpu.memory_space<vmem>>, vector<5x32xf32>
    %dot_general3A_26 = arith.constant dense<0.000000e+00> : vector<1x32xf32>
    %dot_general3A_27 = tpu.matmul %get3A_22, %get3A_25, %dot_general3A_26 {dimension_numbers = #tpu.dot_dimension_numbers<[1], [0], [0], [1], [0, 0, 1, 1], [], []>, transpose_lhs_hint = false} : vector<1x5xf32>, vector<5x32xf32>, vector<1x32xf32> -> vector<1x32xf32>
    %get3A_28 = arith.constant 0 : index
    %get3A_29 = arith.constant 0 : index
    %get3A_30 = vector.load %arg6[%get3A_28, %get3A_29] : memref<1x32xf32, #tpu.memory_space<vmem>>, vector<1x32xf32>
    %add3A_31 = arith.addf %dot_general3A_27, %get3A_30 : vector<1x32xf32>
    %dot_general3A_32 = arith.constant dense<0.000000e+00> : vector<10000x32xf32>
    %dot_general3A_33 = tpu.matmul %mul3A_12, %dot_general3A_19, %dot_general3A_32 {dimension_numbers = #tpu.dot_dimension_numbers<[1], [0], [0], [1], [0, 0, 1, 1], [], []>, transpose_lhs_hint = false} : vector<10000x16xf32>, vector<16x32xf32>, vector<10000x32xf32> -> vector<10000x32xf32>
    %add3A_34 = vector.broadcast %add3A_31 : vector<1x32xf32> to vector<10000x32xf32>
    %add3A_35 = arith.addf %dot_general3A_33, %add3A_34 : vector<10000x32xf32>
    %max3A = arith.constant 0.000000e+00 : f32
    %max3A_36 = vector.broadcast %max3A : f32 to vector<10000x32xf32>
    %max3A_37 = arith.maximumf %add3A_35, %max3A_36 : vector<10000x32xf32>
    %get3A_38 = arith.constant 0 : index
    %get3A_39 = arith.constant 0 : index
    %get3A_40 = vector.load %arg7[%get3A_38, %get3A_39] : memref<32x5xf32, #tpu.memory_space<vmem>>, vector<32x5xf32>
    %dot_general3A_41 = arith.constant dense<0.000000e+00> : vector<10000x5xf32>
    %dot_general3A_42 = tpu.matmul %max3A_37, %get3A_40, %dot_general3A_41 {dimension_numbers = #tpu.dot_dimension_numbers<[1], [0], [0], [1], [0, 0, 1, 1], [], []>, transpose_lhs_hint = false} : vector<10000x32xf32>, vector<32x5xf32>, vector<10000x5xf32> -> vector<10000x5xf32>
    %get3A_43 = arith.constant 0 : index
    %get3A_44 = arith.constant 0 : index
    %get3A_45 = vector.load %arg8[%get3A_43, %get3A_44] : memref<1x5xf32, #tpu.memory_space<vmem>>, vector<1x5xf32>
    %add3A_46 = vector.broadcast %get3A_45 : vector<1x5xf32> to vector<10000x5xf32>
    %add3A_47 = arith.addf %dot_general3A_42, %add3A_46 : vector<10000x5xf32>
    %reduce_max3A = arith.constant dense<0xFF800000> : vector<10000xf32>
    %reduce_max3A_48 = vector.multi_reduction <maximumf>, %add3A_47, %reduce_max3A [1] : vector<10000x5xf32> to vector<10000xf32>
    %broadcast_in_dim3A = vector.shape_cast %reduce_max3A_48 : vector<10000xf32> to vector<10000x1xf32>
    %sub3A = vector.broadcast %broadcast_in_dim3A : vector<10000x1xf32> to vector<10000x5xf32>
    %sub3A_49 = arith.subf %add3A_47, %sub3A : vector<10000x5xf32>
    %exp3A = math.exp %sub3A_49 : vector<10000x5xf32>
    %reduce_sum3A = arith.constant dense<0.000000e+00> : vector<10000xf32>
    %reduce_sum3A_50 = vector.multi_reduction <add>, %exp3A, %reduce_sum3A [1] : vector<10000x5xf32> to vector<10000xf32>
    %broadcast_in_dim3A_51 = vector.shape_cast %reduce_sum3A_50 : vector<10000xf32> to vector<10000x1xf32>
    %log3A = math.log %broadcast_in_dim3A_51 : vector<10000x1xf32>
    %add3A_52 = arith.addf %log3A, %broadcast_in_dim3A : vector<10000x1xf32>
    %sub3A_53 = vector.broadcast %add3A_52 : vector<10000x1xf32> to vector<10000x5xf32>
    %sub3A_54 = arith.subf %add3A_47, %sub3A_53 : vector<10000x5xf32>
    %swap3A = arith.constant 0 : index
    %swap3A_55 = arith.constant 0 : index
    %swap3A_56 = vector.load %arg9[%swap3A, %swap3A_55] : memref<10000x5xf32, #tpu.memory_space<vmem>>, vector<10000x5xf32>
    tpu.vector_store %arg9[%swap3A, %swap3A_55], %sub3A_54 {strides = array<i32>} : memref<10000x5xf32, #tpu.memory_space<vmem>>, vector<10000x5xf32>,
    return
  }
}

</mosaic_0001>

<sc_bundles>
// kernel: kernel.10.cloned.1.call-start
scs
__scs_entry_jumppad:
0x0: {  	(pc) =	sbr.rel $0x88, $3  }
0x1: {  	(tag) =	ssettag $0x0;
	lr =	simm.s32 $0x1  }
0x2: {  	[smem:$0x3F97] =	sst lr;
	_ =	strace $0xD0000000  }
0x3: {  	_ = 	snop  }
0x4: {  	_ = 	snop  }
0x5: {  	_ = 	snop  }
0x6: {  	_ = 	snop  }
0x7: {  	_ = 	snop  }
__scs_overlays_trampoline_lowered:
0x8: {  	[smem:$0x3FA6] =	sst s0  }
0x9: {  	[smem:$0x3FA7] =	sst s1  }
0xa: {  	[smem:$0x3FA8] =	sst s2  }
0xb: {  	[smem:$0x3FA9] =	sst s3  }
0xc: {  	[smem:$0x3FAA] =	sst s4  }
0xd: {  	[smem:$0x3FAB] =	sst s5  }
0xe: {  	[smem:$0x3FAC] =	sst s6  }
0xf: {  	[smem:$0x3FAD] =	sst s7  }
0x10: {  	[smem:$0x3FAE] =	sst s8  }
0x11: {  	[smem:$0x3FAF] =	sst s9;
	s0 =	simm.s32 @!p0 $0x0  }
0x12: {  	s1 =	sld [smem:$0x3F95];
	s0 =	simm.s32 @p0 $0x1  }
0x13: {  	[smem:$0x3FB0] =	sst s0;
	s0 =	simm.s32 @!p1 $0x0  }
0x14: {  	s2 =	sld [smem:$0x3F94];
	s0 =	simm.s32 @p1 $0x1  }
0x15: {  	[smem:$0x3FB1] =	sst s0;
	s0 =	simm.s32 @!p2 $0x0  }
0x16: {  	s3 =	sld [smem:$0x3FDB];
	s0 =	simm.s32 @p2 $0x1  }
0x17: {  	s4 =	simm.s32 $0x1BF5;
	[smem:$0x3FB3] =	sst s0  }
0x18: {  	s0 =	sld [smem:$0x3F96];
	_ =	swait.ge [sflag:s4], $0x0  }
0x19: {  	s7 =	sld [smem:$0x3F97]  }
0x1a: {  	s8 =	sadd.s32 $0xFFFFE003, lr  }
0x1b: {  	s9 =	sadd.s32 $0xFFFFFEF7, lr;
	s5 =	simm.s32 $0xFFFFFFFF;
	p2 =	slt.u32 s8, $0xFFFFF086  }
0x1c: {  	p1 =	slt.u32 s9, $0xF7A;
	s5 =	simm.s32 @!p2 $0x0  }
0x1d: {  	s5 =	simm.s32 @p1 $0x1;
	p0 =	seq.s32 s7, s2  }
0x1e: {  	s7 =	smul.u32 @!p0 $0xF7A, s2;
	p2 =	seq.s32 @!p0 s5, $0x0  }
0x1f: {  	s9 =	smul.u32 $0xF7A, s1;
	s8 =	simm.s32 @!p0 $0x1BF5;
	p2 =	por !p2, p0  }
0x20: {  	[sflag:s8] =	ssyncset.s32 @!p0 $0xFFFFF086;
	s6 =	sadd.s32 @!p0 s3, s7;
	s7 =	simm.s32 @!p0 $0x108  }
0x21: {  	s3 =	sadd.s32 s3, s9;
	s6 =	sadd.s32 @!p0 $0x88, s6;
	s7 =	simm.s32 @p2 $0x1082  }
0x22: {  	[simem:s7], [sflag:s8] =	dma.local @!p0 [hbm:s6], $0xF7A  }
0x23: {  	s9 =	sor.u32 $0xD0000000, s2;
	s6 =	simm.s32 $0x108;
	_ =	swait.ge @!p0 [sflag:s8], $0x0  }
0x24: {  	s3 =	sadd.s32 $0x88, s3;
	s6 =	simm.s32 @!p1 $0x1082;
	[sflag:s4] =	ssyncset.s32 $0xFFFFF086  }
0x25: {  	[simem:s6], [sflag:s4] =	dma.local [hbm:s3], $0xF7A  }
0x26: {  	[smem:$0x3F97] =	sst s1;
	(tag) =	ssettag s2;
	_ =	strace s9  }
0x27: {  	s1 =	sld [smem:$0x3FA7]  }
0x28: {  	s2 =	sld [smem:$0x3FA8]  }
0x29: {  	s4 =	sld [smem:$0x3FAA]  }
0x2a: {  	p0 =	seq.s32 s5, $0x0;
	s5 =	sld [smem:$0x3FAB]  }
0x2b: {  	s6 =	sld [smem:$0x3FAC]  }
0x2c: {  	s7 =	sld [smem:$0x3FAD]  }
0x2d: {  	s3 =	simm.s32 $0x108;
	s8 =	sld [smem:$0x3FAE]  }
0x2e: {  	s3 =	simm.s32 @!p0 $0x1082;
	s9 =	sld [smem:$0x3FAF]  }
0x2f: {  	lr =	sadd.s32 s0, s3;
	s0 =	sld [smem:$0x3FA6]  }
0x30: {  	s3 =	sld [smem:$0x3FA9]  }
0x31: {  	[smem:$0x3FB2] =	sst s10  }
0x32: {  	s10 =	sld [smem:$0x3FB0];
	_ =	sdelay $0x3  }
0x33: {  	p0 =	seq.s32 s10, $0x1;
	s10 =	sld [smem:$0x3FB2];
	_ =	sdelay $0x3  }
0x34: {  	[smem:$0x3FB2] =	sst s10  }
0x35: {  	s10 =	sld [smem:$0x3FB1];
	_ =	sdelay $0x3  }
0x36: {  	p1 =	seq.s32 s10, $0x1;
	s10 =	sld [smem:$0x3FB2];
	_ =	sdelay $0x3  }
0x37: {  	[smem:$0x3FB2] =	sst s10  }
0x38: {  	s10 =	sld [smem:$0x3FB3]  }
0x39: {  	_ = 	snop;
	(pc) =	sbr.ind lr, $3  }
0x3a: {  	_ = 	snop  }
0x3b: {  	_ = 	snop  }
0x3c: {  	p2 =	seq.s32 s10, $0x1;
	s10 =	sld [smem:$0x3FB2]  }
0x3d: {  	_ =	shalt  }
0x3e: {  	_ =	shalt  }
0x3f: {  	_ =	shalt  }
0x40: {  	_ =	shalt  }
0x41: {  	_ =	shalt  }
0x42: {  	_ =	shalt  }
0x43: {  	_ =	shalt  }
0x44: {  	_ =	shalt  }
0x45: {  	_ =	shalt  }
0x46: {  	_ =	shalt  }
0x47: {  	_ =	shalt  }
0x48: {  	_ =	shalt  }
0x49: {  	_ =	shalt  }
0x4a: {  	_ =	shalt  }
0x4b: {  	_ =	shalt  }
0x4c: {  	_ =	shalt  }
0x4d: {  	_ =	shalt  }
0x4e: {  	_ =	shalt  }
0x4f: {  	_ =	shalt  }
0x50: {  	_ =	shalt  }
0x51: {  	_ =	shalt  }
0x52: {  	_ =	shalt  }
0x53: {  	_ =	shalt  }
0x54: {  	_ =	shalt  }
0x55: {  	_ =	shalt  }
0x56: {  	_ =	shalt  }
0x57: {  	_ =	shalt  }
0x58: {  	_ =	shalt  }
0x59: {  	_ =	shalt  }
0x5a: {  	_ =	shalt  }
0x5b: {  	_ =	shalt  }
0x5c: {  	_ =	shalt  }
0x5d: {  	_ =	shalt  }
0x5e: {  	_ =	shalt  }
0x5f: {  	_ =	shalt  }
0x60: {  	_ =	shalt  }
0x61: {  	_ =	shalt  }
0x62: {  	_ =	shalt  }
0x63: {  	_ =	shalt  }
0x64: {  	_ =	shalt  }
0x65: {  	_ =	shalt  }
0x66: {  	_ =	shalt  }
0x67: {  	_ =	shalt  }
0x68: {  	_ =	shalt  }
0x69: {  	_ =	shalt  }
0x6a: {  	_ =	shalt  }
0x6b: {  	_ =	shalt  }
0x6c: {  	_ =	shalt  }
0x6d: {  	_ =	shalt  }
0x6e: {  	_ =	shalt  }
0x6f: {  	_ =	shalt  }
0x70: {  	_ =	shalt  }
0x71: {  	_ =	shalt  }
0x72: {  	_ =	shalt  }
0x73: {  	_ =	shalt  }
0x74: {  	_ =	shalt  }
0x75: {  	_ =	shalt  }
0x76: {  	_ =	shalt  }
0x77: {  	_ =	shalt  }
0x78: {  	_ =	shalt  }
0x79: {  	_ =	shalt  }
0x7a: {  	_ =	shalt  }
0x7b: {  	_ =	shalt  }
0x7c: {  	_ =	shalt  }
0x7d: {  	_ =	shalt  }
0x7e: {  	_ =	shalt  }
0x7f: {  	_ =	shalt  }
0x80: {  	_ =	shalt  }
0x81: {  	_ =	shalt  }
0x82: {  	_ =	shalt  }
0x83: {  	_ =	shalt  }
0x84: {  	_ =	shalt  }
0x85: {  	_ =	shalt  }
0x86: {  	_ =	shalt  }
0x87: {  	_ =	shalt  }
.Lfunc_end0:
.L_simem_size_0:
called_computation.1_lowered:
.L_overlay_start_0:
0x88: {  	s2 =	sld [smem:$0x3FD9]  }
0x89: {  	s3 =	sld [smem:$0x3FFE];
	_ =	sdelay $0x1  }
0x8a: {  	s1 =	srdreg.scid  }
0x8b: {  	s0 =	sand.u32 $0x1, s1  }
0x8c: {  	s16 =	sshll.u32 s0, $0xA;
	s2 =	sadd.s32 s3, s2  }
0x8d: {  	s2 =	sadd.s32 s2, s16  }
0x8e: {  	[smem:$0x3FBE] =	sst s2  }
0x8f: {  	_ = 	snop  }
0x90: {  	(tm) =	ssettm $0x1  }
0x91: {  	s17 =	sld [smem:$0x3FFB];
	_ =	sdelay $0x3  }
0x92: {  	_ =	strace s17  }
0x93: {  	s2 =	sld [smem:$0x3FFC];
	_ =	sdelay $0x3  }
0x94: {  	_ =	strace s2  }
0x95: {  	s2 =	sld [smem:$0x3FFD];
	_ =	sdelay $0x3  }
0x96: {  	_ =	strace s2  }
0x97: {  	_ =	strace $0x8FFFFFFF  }
0x98: {  	s18 =	sld [smem:$0x3FDB];
	_ =	sdelay $0x1  }
0x99: {  	s19 =	simm.s32 $_scs_section_size  }
0x9a: {  	s4 =	simm.s32 $_size__tile_overlayer_lowered;
	s5 =	simm.s32 $_tile_overlayer_lowered  }
0x9b: {  	s22 =	simm.s32 $0x1BFF;
	s21 =	sshll.u32 s5, $0x1;
	s2 =	sadd.s32 s19, s18  }
0x9c: {  	s6 =	simm.s32 $0x0;
	s20 =	sshll.u32 s4, $0x1;
	s4 =	sadd.s32 s21, s2  }
0x9d: {  	[timem:s6], [sflag:s22] =	dma.local [hbm:s4], s20  }
0x9e: {  	_ =	swait.ge [sflag:s22], s20  }
0x9f: {  	s3 =	ssub.s32 $0x0, s20;
	[sflag:s22] =	ssyncset.done $0x0  }
0xa0: {  	[sflag:s22] =	ssyncadd.s32 s3;
	_ =	sdelay $0x1  }
0xa1: {  	s23 =	simm.s32 $0x1B8B  }
0xa2: {  	_ =	swait.ge [sflag:s23], $0x1  }
0xa3: {  	[sflag:s23] =	ssyncset.done $0x0  }
0xa4: {  	s25 =	simm.s32 $0x1B8E;
	s24 =	sld [smem:$0x3FFE];
	[sflag:s23] =	ssyncadd.s32 $0xFFFFFFFF  }
0xa5: {  	s26 =	simm.s32 $execute0_lowered;
	[smem:$0x3FD2] =	sst s25  }
0xa6: {  	s4 =	sshll.u32 s26, $0x1;
	_ =	strace $0x80000049;
	[dreg:$0x1] =	wrdreg $0xFFFFFFFF  }
0xa7: {  	s28 =	simm.s32 $_size_execute0_lowered;
	s2 =	sadd.s32 s2, s4;
	[dreg:$0x0] =	wrdreg $0x0  }
0xa8: {  	s4 =	sshll.u32 s28, $0x1;
	[dreg:$0x2] =	wrdreg s2  }
0xa9: {  	[dreg:$0x3] =	wrdreg s4  }
0xaa: {  	[dreg:$0x4] =	wrdreg $0xC0  }
0xab: {  	_ =	task [dreg:s6], $0x5FFFF  }
0xac: {  	[dreg:$0x1] =	wrdreg $0xFFFFFFFF  }
0xad: {  	[dreg:$0x0] =	wrdreg $0x60  }
0xae: {  	[dreg:$0x2] =	wrdreg s24  }
0xaf: {  	[dreg:$0x3] =	wrdreg $0x187200  }
0xb0: {  	[dreg:$0x4] =	wrdreg $0x9  }
0xb1: {  	_ =	task.clear_ibuf [dreg:s6], $0x5FFFF;
	_ =	strace $0x90000049  }
0xb2: {  	s29 =	simm.s32 $0x9;
	_ =	strace $0x8000004B  }
0xb3: {  	_ =	swait.ge [sflag:s29], $0x1  }
0xb4: {  	[sflag:s29] =	ssyncadd.s32 $0xFFFFFFFF  }
0xb5: {  	_ =	strace $0x9000004B  }
0xb6: {  	_ =	sfence  }
0xb7: {  	s30 =	sld [smem:$0x0];
	_ =	sdelay $0x2  }
0xb8: {  	s31 =	sshll.u32 s1, $0xD;
	s1 =	sshrl.u32 s1, $0x2  }
0xb9: {  	s3 =	sand.u32 $0x4000, s31;
	s1 =	sadd.s32 s1, s30  }
0xba: {  	s0 =	sor.u32 s3, s0;
	s1 =	sshll.u32 s1, $0x11  }
0xbb: {  	s0 =	sor.u32 s1, s0  }
0xbc: {  	s0 =	sadd.s32 $0x8F2B, s0  }
0xbd: {  	[sflag:s0] =	ssyncadd.remote.s32 $0x1  }
0xbe: {  	_ =	sfence.sel $0xFFFF  }
0xbf: {  	[dreg:$0x0] =	wrdreg $0xFFFFFFFF;
	(pc) =	sbr.abs _section_cstart, $3  }
0xc0: {  	[dreg:$0x1] =	wrdreg $0xFFFFFFFF  }
0xc1: {  	_ =	task.clear_ibuf [dreg:s6], $0x2FFFF;
	_ =	strace $0x9FFFFFFF  }
0xc2: {  	(tm) =	ssettm $0x7FFFFFFF  }
0xc3: {  	_ =	shalt  }
tec
execute0_lowered:
.L_overlay_start_1:
0x0: {  	(tag) =	ssettag $0x1  }
0x1: {  	s0 =	rddreg [dreg:$0x0]  }
0x2: {  	s2 =	rddreg [dreg:$0x1]  }
0x3: {  	s31 =	rddreg [dreg:$0x2];
	s7 =	simm.s32 $0x0  }
0x4: {  	s11 =	stileid.u32;
	s1 =	srdreg.scid;
	s22 =	simm.s32 $0x2710  }
0x5: {  	s23 =	simm.s32 $0x1;
	s21 =	simm.s32 $0x2;
	p0 =	por $0x0, $0x0  }
0x6: {  	[smem:$0x7FF] =	sst s7;
	s5 =	smul.u32 $0x2800, s11;
	s1 =	sand.u32 $0x1, s1  }
0x7: {  	s6 =	sadd.s32 $0x2200, s0;
	s3 =	sadd.s32 $0x15C00, s0;
	_ =	strace $0x8000004A  }
0x8: {  	s4 =	smul.u32 $0x28000, s1;
	s9 =	sshll.u32 s1, $0x4;
	s1 =	ssub.s32 $0x2, s1  }
0x9: {  	s8 =	sshrl.u32 s5, $0x3;
	s9 =	sor.u32 s11, s9;
	s10 =	sshrl.u32 s1, $0x1  }
0xa: {  	s12 =	sadd.s32 s5, s2;
	s4 =	sadd.s32 s5, s4;
	s9 =	smul.u32 $0x2710, s9  }
0xb: {  	s8 =	sadd.s32 s8, s0;
	s1 =	ssub.s32 s1, s10;
	s10 =	simm.s32 $0x6  }
0xc: {  	s4 =	sshrl.u32 s4, $0x3;
	s8 =	sadd.s32 $0x1AC00, s8;
	s20 =	smax.u32 s1, $0x1  }
0xd: {  	s0 =	sadd.s32 s4, s0;
	s26 =	sshrl.u32 s9, $0x3;
	s4 =	sshll.u32 s11, $0x6  }
0xe: {  	[dreg:$0x3] =	wrdreg s8;
	s13 =	sadd.s32 $0x9C8, s9;
	s15 =	sadd.s32 $0x4EBC8, s9  }
0xf: {  	s17 =	sadd.s32 $0x1D58, s9;
	s18 =	sadd.s32 $0x4FF58, s9;
	s8 =	simm.s32 $0x9C8  }
0x10: {  	s9 =	simm.s32 $0x4468;
	p1 =	sne.s32 s20, $0x1;
	s24 =	sadd.s32 s6, s26  }
0x11: {  	s11 =	sor.u32 $0x1C01, s4;
	s5 =	sshrl.u32 s13, $0x3;
	s16 =	sshrl.u32 s15, $0x3  }
0x12: {  	s19 =	sshrl.u32 s18, $0x3;
	s15 =	simm.s32 $0x4E20;
	s13 =	simm.s32 $0xEAA0  }
0x13: {  	s18 =	simm.s32 $0x3;
	[dreg:$0x4] =	wrdreg s11;
	s14 =	sadd.s32 $0x9C40, s24  }
0x14: {  	s5 =	sadd.s32 s6, s5;
	s25 =	sadd.s32 s6, s16;
	s26 =	sadd.s32 $0x272, s24  }
0x15: {  	s28 =	sadd.s32 $0x9EB2, s24;
	s30 =	sadd.s32 s6, s19;
	s19 =	simm.s32 $0x1390  }
.Ltmp0:
0x16: {  	s11 =	simm.s32 $0x3AA0;
	[dreg:$0x5] =	wrdreg s14;
	(pc) =	sbr.rel @!p1 .LBB2_5-.Ltmp0, $4  }
0x17: {  	s16 =	simm.s32 $0x4;
	[dreg:$0x6] =	wrdreg s5;
	s5 =	sshrl.u32 s17, $0x3  }
0x18: {  	s17 =	simm.s32 $0x30D8;
	s14 =	simm.s32 $0x5;
	s1 =	rddreg [dreg:$0x4]  }
0x19: {  	s29 =	sadd.s32 s6, s5;
	s5 =	sadd.s32 $0x1FC00, s0;
	s6 =	sshrl.u32 s12, $0x3  }
0x1a: {  	s12 =	simm.s32 $0x1D58;
	s0 =	sadd.s32 $0xFFFFFFFF, s20;
	s20 =	simm.s32 $0x9B8  }
0x1b: {  	s31 =	rddreg [dreg:$0x3]  }
0x1c: {  	[tilespmem:s7], [sflag:$0x1] =	stream.linear.gather [hbm4b:s24+s7], $0x9C8, $0x38;
	[tilespmem:$0x1AF20] =	vst v63  }
0x1d: {  	[spmem:s6], [sflag:s1] =	dma.local [hbm:s31], $0x500  }
0x1e: {  	s1 =	rddreg [dreg:$0x5]  }
0x1f: {  	[tilespmem:s22], [sflag:$0x1] =	stream.linear.gather [hbm4b:s1+s7], $0x9C8, $0x38;
	[tilespmem:$0x1AF20] =	vst v63  }
0x20: {  	s31 =	rddreg [dreg:$0x6]  }
0x21: {  	[tilespmem:s8], [sflag:$0x1] =	stream.linear.gather [hbm4b:s31+s7], $0x9C8, $0x38;
	[tilespmem:$0x1AF20] =	vst v63  }
0x22: {  	_ = 	snop  }
0x23: {  	[tilespmem:s17], [sflag:$0x1] =	stream.linear.gather [hbm4b:s25+s7], $0x9C8, $0x38;
	[tilespmem:$0x1AF20] =	vst v63  }
0x24: {  	_ = 	snop  }
0x25: {  	[tilespmem:s19], [sflag:$0x1] =	stream.linear.gather [hbm4b:s26+s7], $0x9C8, $0x38;
	[tilespmem:$0x1AF20] =	vst v63  }
0x26: {  	_ = 	snop  }
0x27: {  	[tilespmem:s11], [sflag:$0x1] =	stream.linear.gather [hbm4b:s28+s7], $0x9C8, $0x38;
	[tilespmem:$0x1AF20] =	vst v63  }
0x28: {  	_ = 	snop  }
0x29: {  	[tilespmem:s12], [sflag:$0x1] =	stream.linear.gather [hbm4b:s29+s7], $0x9B8, $0x38;
	[tilespmem:$0x1AF20] =	vst v63  }
0x2a: {  	_ = 	snop  }
0x2b: {  	[tilespmem:s9], [sflag:$0x1] =	stream.linear.gather [hbm4b:s30+s7], $0x9B8, $0x38;
	[tilespmem:$0x1AF20] =	vst v63  }
0x2c: {  	_ =	swait.ge [sflag:s23], $0x9C8  }
0x2d: {  	[sflag:s23] =	ssyncset.done $0x0  }
0x2e: {  	[sflag:s23] =	ssyncadd.s32 $0xFFFFF638  }
0x2f: {  	[tilespmem:s15], [sflag:$0x2] =	stream.indirect.gather [hbm4b:s3+s8], $0x10, s7, s8, $0xb8;
	[tilespmem:$0x1AF20] =	vst v63  }
0x30: {  	_ =	swait.ge [sflag:s23], $0x500  }
0x31: {  	[sflag:s23] =	ssyncset.done $0x0  }
0x32: {  	[sflag:s23] =	ssyncadd.s32 $0xFFFFFB00  }
0x33: {  	_ =	swait.ge [sflag:s23], $0x9C8  }
0x34: {  	[sflag:s23] =	ssyncset.done $0x0  }
0x35: {  	[sflag:s23] =	ssyncadd.s32 $0xFFFFF638  }
0x36: {  	_ =	swait.ge [sflag:s23], $0x9C8  }
0x37: {  	[sflag:s23] =	ssyncset.done $0x0  }
0x38: {  	[sflag:s23] =	ssyncadd.s32 $0xFFFFF638  }
0x39: {  	_ =	swait.ge [sflag:s23], $0x9C8  }
0x3a: {  	[sflag:s23] =	ssyncset.done $0x0  }
0x3b: {  	[sflag:s23] =	ssyncadd.s32 $0xFFFFF638  }
0x3c: {  	_ =	swait.ge [sflag:s23], $0x9C8  }
0x3d: {  	[sflag:s23] =	ssyncset.done $0x0  }
0x3e: {  	[sflag:s23] =	ssyncadd.s32 $0xFFFFF638  }
0x3f: {  	_ =	swait.ge [sflag:s23], $0x9C8  }
0x40: {  	[sflag:s23] =	ssyncset.done $0x0  }
0x41: {  	[sflag:s23] =	ssyncadd.s32 $0xFFFFF638  }
0x42: {  	_ =	swait.ge [sflag:s23], $0x9B8  }
0x43: {  	[sflag:s23] =	ssyncset.done $0x0  }
0x44: {  	[sflag:s23] =	ssyncadd.s32 $0xFFFFF648  }
0x45: {  	_ =	swait.ge [sflag:s23], $0x9B8  }
0x46: {  	[sflag:s23] =	ssyncset.done $0x0  }
0x47: {  	[sflag:s23] =	ssyncadd.s32 $0xFFFFF648  }
0x48: {  	[bflag:$0x0] =	sbarrier.arrive $0xFFFF  }
0x49: {  	_ =	swait.ge [sflag:s21], $0x9C80  }
0x4a: {  	[sflag:s21] =	ssyncset.done $0x0  }
0x4b: {  	[sflag:s21] =	ssyncadd.s32 $0xFFFF6380  }
0x4c: {  	[tilespmem:s13], [sflag:$0x3] =	stream.indirect.gather [hbm4b:s3+s8], $0x10, s8, s8, $0xb8;
	[tilespmem:$0x1AF20] =	vst v63  }
0x4d: {  	_ = 	snop  }
0x4e: {  	[spmem:s2] =	stream.indirect.scatter.add.f32 [tilespmem:s15], [sflag:$0x4], $0x10, s22, s8, $0xb8;
	[tilespmem:$0x1AF20] =	vst v63  }
0x4f: {  	_ =	swait.ge [sflag:s18], $0x9C80  }
0x50: {  	[sflag:s18] =	ssyncset.done $0x0  }
0x51: {  	[sflag:s18] =	ssyncadd.s32 $0xFFFF6380  }
0x52: {  	_ =	swait.ge [sflag:s16], $0x9C80  }
0x53: {  	[sflag:s16] =	ssyncset.done $0x0  }
0x54: {  	[sflag:s16] =	ssyncadd.s32 $0xFFFF6380  }
0x55: {  	[tilespmem:s15], [sflag:$0x2] =	stream.indirect.gather [hbm4b:s3+s8], $0x10, s19, s8, $0xb8;
	[tilespmem:$0x1AF20] =	vst v63  }
0x56: {  	_ = 	snop  }
0x57: {  	[spmem:s2] =	stream.indirect.scatter.add.f32 [tilespmem:s13], [sflag:$0x5], $0x10, s17, s8, $0xb8;
	[tilespmem:$0x1AF20] =	vst v63  }
0x58: {  	_ =	swait.ge [sflag:s21], $0x9C80  }
0x59: {  	[sflag:s21] =	ssyncset.done $0x0  }
0x5a: {  	[sflag:s21] =	ssyncadd.s32 $0xFFFF6380  }
0x5b: {  	_ =	swait.ge [sflag:s14], $0x9C80  }
0x5c: {  	[sflag:s14] =	ssyncset.done $0x0  }
0x5d: {  	[sflag:s14] =	ssyncadd.s32 $0xFFFF6380  }
0x5e: {  	[tilespmem:s13], [sflag:$0x3] =	stream.indirect.gather [hbm4b:s3+s20], $0x10, s12, s20, $0xb8;
	[tilespmem:$0x1AF20] =	vst v63  }
0x5f: {  	_ = 	snop  }
0x60: {  	[spmem:s2] =	stream.indirect.scatter.add.f32 [tilespmem:s15], [sflag:$0x4], $0x10, s11, s8, $0xb8;
	[tilespmem:$0x1AF20] =	vst v63  }
0x61: {  	_ =	swait.ge [sflag:s18], $0x9B80  }
0x62: {  	[sflag:s18] =	ssyncset.done $0x0  }
0x63: {  	[sflag:s18] =	ssyncadd.s32 $0xFFFF6480  }
0x64: {  	[spmem:s2] =	stream.indirect.scatter.add.f32 [tilespmem:s13], [sflag:$0x5], $0x10, s9, s20, $0xb8;
	[tilespmem:$0x1AF20] =	vst v63  }
0x65: {  	_ =	swait.ge [sflag:s16], $0x9C80  }
0x66: {  	[sflag:s16] =	ssyncset.done $0x0  }
0x67: {  	[sflag:s16] =	ssyncadd.s32 $0xFFFF6380  }
0x68: {  	_ =	swait.ge [sflag:s14], $0x9B80  }
0x69: {  	[sflag:s14] =	ssyncset.done $0x0  }
0x6a: {  	p1 =	sne.s32 s0, $0x1;
	[sflag:s14] =	ssyncadd.s32 $0xFFFF6480  }
.Ltmp1:
0x6b: {  	[bflag:$0x0] =	sbarrier.arrive $0xFFFF;
	(pc) =	sbr.rel @!p1 .LBB2_2-.Ltmp1, $4  }
0x6c: {  	s31 =	sor.u32 $0x1C06, s4;
	[dreg:$0x7] =	wrdreg s4  }
0x6d: {  	[hbm:s5], [sflag:s31] =	dma.local [spmem:s6], $0x500  }
0x6e: {  	s0 =	sadd.s32 $0xFFFFFFFF, s0;
	_ =	swait.ge [sflag:s10], $0x500  }
0x6f: {  	p0 =	por $0x1, $0x1;
	s1 =	rddreg [dreg:$0x4];
	[sflag:s10] =	ssyncset.done $0x0  }
.LBB2_3:
0x70: {  	s4 =	rddreg [dreg:$0x3];
	[sflag:s10] =	ssyncadd.s32 $0xFFFFFB00  }
0x71: {  	[tilespmem:s7], [sflag:$0x1] =	stream.linear.gather [hbm4b:s24+s7], $0x9C8, $0x38;
	[tilespmem:$0x1AF20] =	vst v63  }
0x72: {  	[spmem:s6], [sflag:s1] =	dma.local [hbm:s4], $0x500  }
0x73: {  	s1 =	rddreg [dreg:$0x5]  }
0x74: {  	[tilespmem:s22], [sflag:$0x1] =	stream.linear.gather [hbm4b:s1+s7], $0x9C8, $0x38;
	[tilespmem:$0x1AF20] =	vst v63  }
0x75: {  	s4 =	rddreg [dreg:$0x6]  }
0x76: {  	[tilespmem:s8], [sflag:$0x1] =	stream.linear.gather [hbm4b:s4+s7], $0x9C8, $0x38;
	[tilespmem:$0x1AF20] =	vst v63  }
0x77: {  	_ = 	snop  }
0x78: {  	[tilespmem:s17], [sflag:$0x1] =	stream.linear.gather [hbm4b:s25+s7], $0x9C8, $0x38;
	[tilespmem:$0x1AF20] =	vst v63  }
0x79: {  	_ = 	snop  }
0x7a: {  	[tilespmem:s19], [sflag:$0x1] =	stream.linear.gather [hbm4b:s26+s7], $0x9C8, $0x38;
	[tilespmem:$0x1AF20] =	vst v63  }
0x7b: {  	_ = 	snop  }
0x7c: {  	[tilespmem:s11], [sflag:$0x1] =	stream.linear.gather [hbm4b:s28+s7], $0x9C8, $0x38;
	[tilespmem:$0x1AF20] =	vst v63  }
0x7d: {  	_ = 	snop  }
0x7e: {  	[tilespmem:s12], [sflag:$0x1] =	stream.linear.gather [hbm4b:s29+s7], $0x9B8, $0x38;
	[tilespmem:$0x1AF20] =	vst v63  }
0x7f: {  	_ = 	snop  }
0x80: {  	[tilespmem:s9], [sflag:$0x1] =	stream.linear.gather [hbm4b:s30+s7], $0x9B8, $0x38;
	[tilespmem:$0x1AF20] =	vst v63  }
0x81: {  	_ =	swait.ge [sflag:s23], $0x9C8  }
0x82: {  	[sflag:s23] =	ssyncset.done $0x0  }
0x83: {  	[sflag:s23] =	ssyncadd.s32 $0xFFFFF638  }
0x84: {  	[tilespmem:s15], [sflag:$0x2] =	stream.indirect.gather [hbm4b:s3+s8], $0x10, s7, s8, $0xb8;
	[tilespmem:$0x1AF20] =	vst v63  }
0x85: {  	_ =	swait.ge [sflag:s23], $0x500  }
0x86: {  	[sflag:s23] =	ssyncset.done $0x0  }
0x87: {  	[sflag:s23] =	ssyncadd.s32 $0xFFFFFB00  }
0x88: {  	_ =	swait.ge [sflag:s23], $0x9C8  }
0x89: {  	[sflag:s23] =	ssyncset.done $0x0  }
0x8a: {  	[sflag:s23] =	ssyncadd.s32 $0xFFFFF638  }
0x8b: {  	_ =	swait.ge [sflag:s23], $0x9C8  }
0x8c: {  	[sflag:s23] =	ssyncset.done $0x0  }
0x8d: {  	[sflag:s23] =	ssyncadd.s32 $0xFFFFF638  }
0x8e: {  	_ =	swait.ge [sflag:s23], $0x9C8  }
0x8f: {  	[sflag:s23] =	ssyncset.done $0x0  }
0x90: {  	[sflag:s23] =	ssyncadd.s32 $0xFFFFF638  }
0x91: {  	_ =	swait.ge [sflag:s23], $0x9C8  }
0x92: {  	[sflag:s23] =	ssyncset.done $0x0  }
0x93: {  	[sflag:s23] =	ssyncadd.s32 $0xFFFFF638  }
0x94: {  	_ =	swait.ge [sflag:s23], $0x9C8  }
0x95: {  	[sflag:s23] =	ssyncset.done $0x0  }
0x96: {  	[sflag:s23] =	ssyncadd.s32 $0xFFFFF638  }
0x97: {  	_ =	swait.ge [sflag:s23], $0x9B8  }
0x98: {  	[sflag:s23] =	ssyncset.done $0x0  }
0x99: {  	[sflag:s23] =	ssyncadd.s32 $0xFFFFF648  }
0x9a: {  	_ =	swait.ge [sflag:s23], $0x9B8  }
0x9b: {  	[sflag:s23] =	ssyncset.done $0x0  }
0x9c: {  	[sflag:s23] =	ssyncadd.s32 $0xFFFFF648  }
0x9d: {  	[bflag:$0x0] =	sbarrier.arrive $0xFFFF  }
0x9e: {  	_ =	swait.ge [sflag:s21], $0x9C80  }
0x9f: {  	[sflag:s21] =	ssyncset.done $0x0  }
0xa0: {  	[sflag:s21] =	ssyncadd.s32 $0xFFFF6380  }
0xa1: {  	[tilespmem:s13], [sflag:$0x3] =	stream.indirect.gather [hbm4b:s3+s8], $0x10, s8, s8, $0xb8;
	[tilespmem:$0x1AF20] =	vst v63  }
0xa2: {  	_ = 	snop  }
0xa3: {  	[spmem:s2] =	stream.indirect.scatter.add.f32 [tilespmem:s15], [sflag:$0x4], $0x10, s22, s8, $0xb8;
	[tilespmem:$0x1AF20] =	vst v63  }
0xa4: {  	_ =	swait.ge [sflag:s18], $0x9C80  }
0xa5: {  	[sflag:s18] =	ssyncset.done $0x0  }
0xa6: {  	[sflag:s18] =	ssyncadd.s32 $0xFFFF6380  }
0xa7: {  	_ =	swait.ge [sflag:s16], $0x9C80  }
0xa8: {  	[sflag:s16] =	ssyncset.done $0x0  }
0xa9: {  	[sflag:s16] =	ssyncadd.s32 $0xFFFF6380  }
0xaa: {  	[tilespmem:s15], [sflag:$0x2] =	stream.indirect.gather [hbm4b:s3+s8], $0x10, s19, s8, $0xb8;
	[tilespmem:$0x1AF20] =	vst v63  }
0xab: {  	_ = 	snop  }
0xac: {  	[spmem:s2] =	stream.indirect.scatter.add.f32 [tilespmem:s13], [sflag:$0x5], $0x10, s17, s8, $0xb8;
	[tilespmem:$0x1AF20] =	vst v63  }
0xad: {  	_ =	swait.ge [sflag:s21], $0x9C80  }
0xae: {  	[sflag:s21] =	ssyncset.done $0x0  }
0xaf: {  	[sflag:s21] =	ssyncadd.s32 $0xFFFF6380  }
0xb0: {  	_ =	swait.ge [sflag:s14], $0x9C80  }
0xb1: {  	[sflag:s14] =	ssyncset.done $0x0  }
0xb2: {  	[sflag:s14] =	ssyncadd.s32 $0xFFFF6380  }
0xb3: {  	[tilespmem:s13], [sflag:$0x3] =	stream.indirect.gather [hbm4b:s3+s20], $0x10, s12, s20, $0xb8;
	[tilespmem:$0x1AF20] =	vst v63  }
0xb4: {  	_ = 	snop  }
0xb5: {  	[spmem:s2] =	stream.indirect.scatter.add.f32 [tilespmem:s15], [sflag:$0x4], $0x10, s11, s8, $0xb8;
	[tilespmem:$0x1AF20] =	vst v63  }
0xb6: {  	_ =	swait.ge [sflag:s18], $0x9B80  }
0xb7: {  	[sflag:s18] =	ssyncset.done $0x0  }
0xb8: {  	[sflag:s18] =	ssyncadd.s32 $0xFFFF6480  }
0xb9: {  	[spmem:s2] =	stream.indirect.scatter.add.f32 [tilespmem:s13], [sflag:$0x5], $0x10, s9, s20, $0xb8;
	[tilespmem:$0x1AF20] =	vst v63  }
0xba: {  	_ =	swait.ge [sflag:s16], $0x9C80  }
0xbb: {  	[sflag:s16] =	ssyncset.done $0x0  }
0xbc: {  	[sflag:s16] =	ssyncadd.s32 $0xFFFF6380  }
0xbd: {  	_ =	swait.ge [sflag:s14], $0x9B80  }
0xbe: {  	p1 =	sne.s32 s0, $0x1;
	[sflag:s14] =	ssyncset.done $0x0  }
.Ltmp2:
0xbf: {  	[sflag:s14] =	ssyncadd.s32 $0xFFFF6480;
	(pc) =	sbr.rel @p1 .LBB2_3-.Ltmp2, $4  }
0xc0: {  	[bflag:$0x0] =	sbarrier.arrive $0xFFFF  }
0xc1: {  	[hbm:s5], [sflag:s31] =	dma.local [spmem:s6], $0x500  }
0xc2: {  	_ =	swait.ge [sflag:s10], $0x500  }
0xc3: {  	s0 =	sadd.s32 $0xFFFFFFFF, s0;
	s1 =	rddreg [dreg:$0x4];
	[sflag:s10] =	ssyncset.done $0x0  }
0xc4: {  	s31 =	rddreg [dreg:$0x2]  }
0xc5: {  	s4 =	rddreg [dreg:$0x7]  }
.LBB2_5:
0xc6: {  	s0 =	rddreg [dreg:$0x3];
	[sflag:s10] =	ssyncadd.s32 @p0 $0xFFFFFB00  }
0xc7: {  	[tilespmem:s7], [sflag:$0x1] =	stream.linear.gather [hbm4b:s24+s7], $0x9C8, $0x38;
	[tilespmem:$0x1AF20] =	vst v63  }
0xc8: {  	[spmem:s6], [sflag:s1] =	dma.local [hbm:s0], $0x500  }
0xc9: {  	s0 =	rddreg [dreg:$0x5]  }
0xca: {  	[tilespmem:s22], [sflag:$0x1] =	stream.linear.gather [hbm4b:s0+s7], $0x9C8, $0x38;
	[tilespmem:$0x1AF20] =	vst v63  }
0xcb: {  	s1 =	rddreg [dreg:$0x6]  }
0xcc: {  	[tilespmem:s8], [sflag:$0x1] =	stream.linear.gather [hbm4b:s1+s7], $0x9C8, $0x38;
	[tilespmem:$0x1AF20] =	vst v63  }
0xcd: {  	_ = 	snop  }
0xce: {  	[tilespmem:s17], [sflag:$0x1] =	stream.linear.gather [hbm4b:s25+s7], $0x9C8, $0x38;
	[tilespmem:$0x1AF20] =	vst v63  }
0xcf: {  	_ = 	snop  }
0xd0: {  	[tilespmem:s19], [sflag:$0x1] =	stream.linear.gather [hbm4b:s26+s7], $0x9C8, $0x38;
	[tilespmem:$0x1AF20] =	vst v63  }
0xd1: {  	_ = 	snop  }
0xd2: {  	[tilespmem:s11], [sflag:$0x1] =	stream.linear.gather [hbm4b:s28+s7], $0x9C8, $0x38;
	[tilespmem:$0x1AF20] =	vst v63  }
0xd3: {  	_ = 	snop  }
0xd4: {  	[tilespmem:s12], [sflag:$0x1] =	stream.linear.gather [hbm4b:s29+s7], $0x9B8, $0x38;
	[tilespmem:$0x1AF20] =	vst v63  }
0xd5: {  	_ = 	snop  }
0xd6: {  	[tilespmem:s9], [sflag:$0x1] =	stream.linear.gather [hbm4b:s30+s7], $0x9B8, $0x38;
	[tilespmem:$0x1AF20] =	vst v63  }
0xd7: {  	_ =	swait.ge [sflag:s23], $0x9C8  }
0xd8: {  	[sflag:s23] =	ssyncset.done $0x0  }
0xd9: {  	[sflag:s23] =	ssyncadd.s32 $0xFFFFF638  }
0xda: {  	[tilespmem:s15], [sflag:$0x2] =	stream.indirect.gather [hbm4b:s3+s8], $0x10, s7, s8, $0xb8;
	[tilespmem:$0x1AF20] =	vst v63  }
0xdb: {  	_ =	swait.ge [sflag:s23], $0x500  }
0xdc: {  	[sflag:s23] =	ssyncset.done $0x0  }
0xdd: {  	[sflag:s23] =	ssyncadd.s32 $0xFFFFFB00  }
0xde: {  	_ =	swait.ge [sflag:s23], $0x9C8  }
0xdf: {  	[sflag:s23] =	ssyncset.done $0x0  }
0xe0: {  	[sflag:s23] =	ssyncadd.s32 $0xFFFFF638  }
0xe1: {  	_ =	swait.ge [sflag:s23], $0x9C8  }
0xe2: {  	[sflag:s23] =	ssyncset.done $0x0  }
0xe3: {  	[sflag:s23] =	ssyncadd.s32 $0xFFFFF638  }
0xe4: {  	_ =	swait.ge [sflag:s23], $0x9C8  }
0xe5: {  	[sflag:s23] =	ssyncset.done $0x0  }
0xe6: {  	[sflag:s23] =	ssyncadd.s32 $0xFFFFF638  }
0xe7: {  	_ =	swait.ge [sflag:s23], $0x9C8  }
0xe8: {  	[sflag:s23] =	ssyncset.done $0x0  }
0xe9: {  	[sflag:s23] =	ssyncadd.s32 $0xFFFFF638  }
0xea: {  	_ =	swait.ge [sflag:s23], $0x9C8  }
0xeb: {  	[sflag:s23] =	ssyncset.done $0x0  }
0xec: {  	[sflag:s23] =	ssyncadd.s32 $0xFFFFF638  }
0xed: {  	_ =	swait.ge [sflag:s23], $0x9B8  }
0xee: {  	[sflag:s23] =	ssyncset.done $0x0  }
0xef: {  	[sflag:s23] =	ssyncadd.s32 $0xFFFFF648  }
0xf0: {  	_ =	swait.ge [sflag:s23], $0x9B8  }
0xf1: {  	[sflag:s23] =	ssyncset.done $0x0  }
0xf2: {  	[sflag:s23] =	ssyncadd.s32 $0xFFFFF648  }
0xf3: {  	[bflag:$0x0] =	sbarrier.arrive $0xFFFF  }
0xf4: {  	_ =	swait.ge [sflag:s21], $0x9C80  }
0xf5: {  	[sflag:s21] =	ssyncset.done $0x0  }
0xf6: {  	[sflag:s21] =	ssyncadd.s32 $0xFFFF6380  }
0xf7: {  	[tilespmem:s13], [sflag:$0x3] =	stream.indirect.gather [hbm4b:s3+s8], $0x10, s8, s8, $0xb8;
	[tilespmem:$0x1AF20] =	vst v63  }
0xf8: {  	_ = 	snop  }
0xf9: {  	[spmem:s2] =	stream.indirect.scatter.add.f32 [tilespmem:s15], [sflag:$0x4], $0x10, s22, s8, $0xb8;
	[tilespmem:$0x1AF20] =	vst v63  }
0xfa: {  	_ =	swait.ge [sflag:s18], $0x9C80  }
0xfb: {  	[sflag:s18] =	ssyncset.done $0x0  }
0xfc: {  	[sflag:s18] =	ssyncadd.s32 $0xFFFF6380  }
0xfd: {  	_ =	swait.ge [sflag:s16], $0x9C80  }
0xfe: {  	[sflag:s16] =	ssyncset.done $0x0  }
0xff: {  	[sflag:s16] =	ssyncadd.s32 $0xFFFF6380  }
0x100: {  	[tilespmem:s15], [sflag:$0x2] =	stream.indirect.gather [hbm4b:s3+s8], $0x10, s19, s8, $0xb8;
	[tilespmem:$0x1AF20] =	vst v63  }
0x101: {  	_ = 	snop  }
0x102: {  	[spmem:s2] =	stream.indirect.scatter.add.f32 [tilespmem:s13], [sflag:$0x5], $0x10, s17, s8, $0xb8;
	[tilespmem:$0x1AF20] =	vst v63  }
0x103: {  	_ =	swait.ge [sflag:s21], $0x9C80  }
0x104: {  	[sflag:s21] =	ssyncset.done $0x0  }
0x105: {  	[sflag:s21] =	ssyncadd.s32 $0xFFFF6380  }
0x106: {  	_ =	swait.ge [sflag:s14], $0x9C80  }
0x107: {  	[sflag:s14] =	ssyncset.done $0x0  }
0x108: {  	[sflag:s14] =	ssyncadd.s32 $0xFFFF6380  }
0x109: {  	[tilespmem:s13], [sflag:$0x3] =	stream.indirect.gather [hbm4b:s3+s20], $0x10, s12, s20, $0xb8;
	[tilespmem:$0x1AF20] =	vst v63  }
0x10a: {  	_ = 	snop  }
0x10b: {  	[spmem:s2] =	stream.indirect.scatter.add.f32 [tilespmem:s15], [sflag:$0x4], $0x10, s11, s8, $0xb8;
	[tilespmem:$0x1AF20] =	vst v63  }
0x10c: {  	_ =	swait.ge [sflag:s18], $0x9B80  }
0x10d: {  	[sflag:s18] =	ssyncset.done $0x0  }
0x10e: {  	[sflag:s18] =	ssyncadd.s32 $0xFFFF6480  }
0x10f: {  	[spmem:s2] =	stream.indirect.scatter.add.f32 [tilespmem:s13], [sflag:$0x5], $0x10, s9, s20, $0xb8;
	[tilespmem:$0x1AF20] =	vst v63  }
0x110: {  	_ =	swait.ge [sflag:s16], $0x9C80  }
0x111: {  	[sflag:s16] =	ssyncset.done $0x0  }
0x112: {  	[sflag:s16] =	ssyncadd.s32 $0xFFFF6380  }
0x113: {  	_ =	swait.ge [sflag:s14], $0x9B80  }
0x114: {  	[sflag:s14] =	ssyncset.done $0x0  }
0x115: {  	[sflag:s14] =	ssyncadd.s32 $0xFFFF6480  }
0x116: {  	s29 =	sor.u32 $0x1C06, s4;
	[bflag:$0x0] =	sbarrier.arrive $0xFFFF  }
0x117: {  	[hbm:s5], [sflag:s29] =	dma.local [spmem:s6], $0x500  }
0x118: {  	_ =	swait.ge [sflag:s10], $0x500  }
0x119: {  	[sflag:s10] =	ssyncset.done $0x0  }
0x11a: {  	[sflag:s10] =	ssyncadd.s32 $0xFFFFFB00  }
0x11b: {  	_ =	sfence.sel $0x180000  }
0x11c: {  	s30 =	stileid.u32;
	[bflag:$0x0] =	sbarrier.arrive $0xFFFF  }
0x11d: {  	p0 =	sne.s32 s30, $0x0;
	_ =	strace $0x9000004A  }
0x11e: {  	s0 =	sadd.s32 @!p0 $0x100000, s31;
	[bflag:$0x2] =	sbarrier.arrive $0xFFFF  }
0x11f: {  	[sflag:s0] =	ssyncadd.tile.s32 @!p0 $0x1;
	_ =	shalt  }
.LBB2_2:
.Ltmp3:
0x120: {  	(pc) =	sbr.rel .LBB2_5-.Ltmp3, $3  }
0x121: {  	_ =	sdelay $0x1  }
0x122: {  	s31 =	rddreg [dreg:$0x2]  }
0x123: {  	s4 =	rddreg [dreg:$0x7]  }
.Lfunc_end2:
_tile_overlayer_lowered:
.L_overlay_start_2:
0x124: {  	(tag) =	ssettag $0x2  }
0x125: {  	s0 =	rddreg [dreg:$0x0];
	s2 =	stileid.u32  }
0x126: {  	s1 =	rddreg [dreg:$0x1];
	p0 =	sne.s32 s2, $0x0  }
0x127: {  	s3 =	rddreg [dreg:$0x2];
	[bflag:$0x3] =	sbarrier.arrive $0xFFFF;
	s2 =	simm.s32 @!p0 $0x1C06  }
0x128: {  	[timem:s3], [sflag:s2] =	dma.local @!p0 [hbm:s0], s1  }
0x129: {  	s0 =	simm.s32 @!p0 $0x6  }
0x12a: {  	_ =	swait.ge @!p0 [sflag:s0], s1  }
0x12b: {  	s1 =	ssub.s32 @!p0 $0x0, s1;
	[sflag:s0] =	ssyncset.done @!p0 $0x0  }
0x12c: {  	[sflag:s0] =	ssyncadd.s32 @!p0 s1  }
0x12d: {  	[bflag:$0x3] =	sbarrier.arrive $0xFFFF  }
0x12e: {  	_ =	shalt  }

// kernel: kernel.13.cloned.1.call-start
scs
__scs_entry_jumppad:
0x0: {  	(pc) =	sbr.rel $0x88, $3  }
0x1: {  	(tag) =	ssettag $0x0;
	lr =	simm.s32 $0x1  }
0x2: {  	[smem:$0x3F97] =	sst lr;
	_ =	strace $0xD0000000  }
0x3: {  	_ = 	snop  }
0x4: {  	_ = 	snop  }
0x5: {  	_ = 	snop  }
0x6: {  	_ = 	snop  }
0x7: {  	_ = 	snop  }
__scs_overlays_trampoline_lowered:
0x8: {  	[smem:$0x3FA6] =	sst s0  }
0x9: {  	[smem:$0x3FA7] =	sst s1  }
0xa: {  	[smem:$0x3FA8] =	sst s2  }
0xb: {  	[smem:$0x3FA9] =	sst s3  }
0xc: {  	[smem:$0x3FAA] =	sst s4  }
0xd: {  	[smem:$0x3FAB] =	sst s5  }
0xe: {  	[smem:$0x3FAC] =	sst s6  }
0xf: {  	[smem:$0x3FAD] =	sst s7  }
0x10: {  	[smem:$0x3FAE] =	sst s8  }
0x11: {  	[smem:$0x3FAF] =	sst s9;
	s0 =	simm.s32 @!p0 $0x0  }
0x12: {  	s1 =	sld [smem:$0x3F95];
	s0 =	simm.s32 @p0 $0x1  }
0x13: {  	[smem:$0x3FB0] =	sst s0;
	s0 =	simm.s32 @!p1 $0x0  }
0x14: {  	s2 =	sld [smem:$0x3F94];
	s0 =	simm.s32 @p1 $0x1  }
0x15: {  	[smem:$0x3FB1] =	sst s0;
	s0 =	simm.s32 @!p2 $0x0  }
0x16: {  	s3 =	sld [smem:$0x3FDB];
	s0 =	simm.s32 @p2 $0x1  }
0x17: {  	s4 =	simm.s32 $0x1BF5;
	[smem:$0x3FB3] =	sst s0  }
0x18: {  	s0 =	sld [smem:$0x3F96];
	_ =	swait.ge [sflag:s4], $0x0  }
0x19: {  	s7 =	sld [smem:$0x3F97]  }
0x1a: {  	s8 =	sadd.s32 $0xFFFFE003, lr  }
0x1b: {  	s9 =	sadd.s32 $0xFFFFFEF7, lr;
	s5 =	simm.s32 $0xFFFFFFFF;
	p2 =	slt.u32 s8, $0xFFFFF086  }
0x1c: {  	p1 =	slt.u32 s9, $0xF7A;
	s5 =	simm.s32 @!p2 $0x0  }
0x1d: {  	s5 =	simm.s32 @p1 $0x1;
	p0 =	seq.s32 s7, s2  }
0x1e: {  	s7 =	smul.u32 @!p0 $0xF7A, s2;
	p2 =	seq.s32 @!p0 s5, $0x0  }
0x1f: {  	s9 =	smul.u32 $0xF7A, s1;
	s8 =	simm.s32 @!p0 $0x1BF5;
	p2 =	por !p2, p0  }
0x20: {  	[sflag:s8] =	ssyncset.s32 @!p0 $0xFFFFF086;
	s6 =	sadd.s32 @!p0 s3, s7;
	s7 =	simm.s32 @!p0 $0x108  }
0x21: {  	s3 =	sadd.s32 s3, s9;
	s6 =	sadd.s32 @!p0 $0x88, s6;
	s7 =	simm.s32 @p2 $0x1082  }
0x22: {  	[simem:s7], [sflag:s8] =	dma.local @!p0 [hbm:s6], $0xF7A  }
0x23: {  	s9 =	sor.u32 $0xD0000000, s2;
	s6 =	simm.s32 $0x108;
	_ =	swait.ge @!p0 [sflag:s8], $0x0  }
0x24: {  	s3 =	sadd.s32 $0x88, s3;
	s6 =	simm.s32 @!p1 $0x1082;
	[sflag:s4] =	ssyncset.s32 $0xFFFFF086  }
0x25: {  	[simem:s6], [sflag:s4] =	dma.local [hbm:s3], $0xF7A  }
0x26: {  	[smem:$0x3F97] =	sst s1;
	(tag) =	ssettag s2;
	_ =	strace s9  }
0x27: {  	s1 =	sld [smem:$0x3FA7]  }
0x28: {  	s2 =	sld [smem:$0x3FA8]  }
0x29: {  	s4 =	sld [smem:$0x3FAA]  }
0x2a: {  	p0 =	seq.s32 s5, $0x0;
	s5 =	sld [smem:$0x3FAB]  }
0x2b: {  	s6 =	sld [smem:$0x3FAC]  }
0x2c: {  	s7 =	sld [smem:$0x3FAD]  }
0x2d: {  	s3 =	simm.s32 $0x108;
	s8 =	sld [smem:$0x3FAE]  }
0x2e: {  	s3 =	simm.s32 @!p0 $0x1082;
	s9 =	sld [smem:$0x3FAF]  }
0x2f: {  	lr =	sadd.s32 s0, s3;
	s0 =	sld [smem:$0x3FA6]  }
0x30: {  	s3 =	sld [smem:$0x3FA9]  }
0x31: {  	[smem:$0x3FB2] =	sst s10  }
0x32: {  	s10 =	sld [smem:$0x3FB0];
	_ =	sdelay $0x3  }
0x33: {  	p0 =	seq.s32 s10, $0x1;
	s10 =	sld [smem:$0x3FB2];
	_ =	sdelay $0x3  }
0x34: {  	[smem:$0x3FB2] =	sst s10  }
0x35: {  	s10 =	sld [smem:$0x3FB1];
	_ =	sdelay $0x3  }
0x36: {  	p1 =	seq.s32 s10, $0x1;
	s10 =	sld [smem:$0x3FB2];
	_ =	sdelay $0x3  }
0x37: {  	[smem:$0x3FB2] =	sst s10  }
0x38: {  	s10 =	sld [smem:$0x3FB3]  }
0x39: {  	_ = 	snop;
	(pc) =	sbr.ind lr, $3  }
0x3a: {  	_ = 	snop  }
0x3b: {  	_ = 	snop  }
0x3c: {  	p2 =	seq.s32 s10, $0x1;
	s10 =	sld [smem:$0x3FB2]  }
0x3d: {  	_ =	shalt  }
0x3e: {  	_ =	shalt  }
0x3f: {  	_ =	shalt  }
0x40: {  	_ =	shalt  }
0x41: {  	_ =	shalt  }
0x42: {  	_ =	shalt  }
0x43: {  	_ =	shalt  }
0x44: {  	_ =	shalt  }
0x45: {  	_ =	shalt  }
0x46: {  	_ =	shalt  }
0x47: {  	_ =	shalt  }
0x48: {  	_ =	shalt  }
0x49: {  	_ =	shalt  }
0x4a: {  	_ =	shalt  }
0x4b: {  	_ =	shalt  }
0x4c: {  	_ =	shalt  }
0x4d: {  	_ =	shalt  }
0x4e: {  	_ =	shalt  }
0x4f: {  	_ =	shalt  }
0x50: {  	_ =	shalt  }
0x51: {  	_ =	shalt  }
0x52: {  	_ =	shalt  }
0x53: {  	_ =	shalt  }
0x54: {  	_ =	shalt  }
0x55: {  	_ =	shalt  }
0x56: {  	_ =	shalt  }
0x57: {  	_ =	shalt  }
0x58: {  	_ =	shalt  }
0x59: {  	_ =	shalt  }
0x5a: {  	_ =	shalt  }
0x5b: {  	_ =	shalt  }
0x5c: {  	_ =	shalt  }
0x5d: {  	_ =	shalt  }
0x5e: {  	_ =	shalt  }
0x5f: {  	_ =	shalt  }
0x60: {  	_ =	shalt  }
0x61: {  	_ =	shalt  }
0x62: {  	_ =	shalt  }
0x63: {  	_ =	shalt  }
0x64: {  	_ =	shalt  }
0x65: {  	_ =	shalt  }
0x66: {  	_ =	shalt  }
0x67: {  	_ =	shalt  }
0x68: {  	_ =	shalt  }
0x69: {  	_ =	shalt  }
0x6a: {  	_ =	shalt  }
0x6b: {  	_ =	shalt  }
0x6c: {  	_ =	shalt  }
0x6d: {  	_ =	shalt  }
0x6e: {  	_ =	shalt  }
0x6f: {  	_ =	shalt  }
0x70: {  	_ =	shalt  }
0x71: {  	_ =	shalt  }
0x72: {  	_ =	shalt  }
0x73: {  	_ =	shalt  }
0x74: {  	_ =	shalt  }
0x75: {  	_ =	shalt  }
0x76: {  	_ =	shalt  }
0x77: {  	_ =	shalt  }
0x78: {  	_ =	shalt  }
0x79: {  	_ =	shalt  }
0x7a: {  	_ =	shalt  }
0x7b: {  	_ =	shalt  }
0x7c: {  	_ =	shalt  }
0x7d: {  	_ =	shalt  }
0x7e: {  	_ =	shalt  }
0x7f: {  	_ =	shalt  }
0x80: {  	_ =	shalt  }
0x81: {  	_ =	shalt  }
0x82: {  	_ =	shalt  }
0x83: {  	_ =	shalt  }
0x84: {  	_ =	shalt  }
0x85: {  	_ =	shalt  }
0x86: {  	_ =	shalt  }
0x87: {  	_ =	shalt  }
.Lfunc_end0:
.L_simem_size_0:
called_computation.2_lowered:
.L_overlay_start_0:
0x88: {  	s2 =	sld [smem:$0x3FD9]  }
0x89: {  	s3 =	sld [smem:$0x3FFE];
	_ =	sdelay $0x1  }
0x8a: {  	s1 =	srdreg.scid  }
0x8b: {  	s0 =	sand.u32 $0x1, s1  }
0x8c: {  	s16 =	sshll.u32 s0, $0xA;
	s2 =	sadd.s32 s3, s2  }
0x8d: {  	s2 =	sadd.s32 s2, s16  }
0x8e: {  	[smem:$0x3FBE] =	sst s2  }
0x8f: {  	_ = 	snop  }
0x90: {  	(tm) =	ssettm $0x1  }
0x91: {  	s17 =	sld [smem:$0x3FFB];
	_ =	sdelay $0x3  }
0x92: {  	_ =	strace s17  }
0x93: {  	s2 =	sld [smem:$0x3FFC];
	_ =	sdelay $0x3  }
0x94: {  	_ =	strace s2  }
0x95: {  	s2 =	sld [smem:$0x3FFD];
	_ =	sdelay $0x3  }
0x96: {  	_ =	strace s2  }
0x97: {  	_ =	strace $0x8FFFFFFF  }
0x98: {  	s18 =	sld [smem:$0x3FDB];
	_ =	sdelay $0x1  }
0x99: {  	s19 =	simm.s32 $_scs_section_size  }
0x9a: {  	s4 =	simm.s32 $_size__tile_overlayer_lowered;
	s5 =	simm.s32 $_tile_overlayer_lowered  }
0x9b: {  	s22 =	simm.s32 $0x1BFF;
	s21 =	sshll.u32 s5, $0x1;
	s2 =	sadd.s32 s19, s18  }
0x9c: {  	s6 =	simm.s32 $0x0;
	s20 =	sshll.u32 s4, $0x1;
	s4 =	sadd.s32 s21, s2  }
0x9d: {  	[timem:s6], [sflag:s22] =	dma.local [hbm:s4], s20  }
0x9e: {  	_ =	swait.ge [sflag:s22], s20  }
0x9f: {  	s3 =	ssub.s32 $0x0, s20;
	[sflag:s22] =	ssyncset.done $0x0  }
0xa0: {  	[sflag:s22] =	ssyncadd.s32 s3;
	_ =	sdelay $0x1  }
0xa1: {  	s23 =	simm.s32 $0x1B8B  }
0xa2: {  	_ =	swait.ge [sflag:s23], $0x1  }
0xa3: {  	[sflag:s23] =	ssyncset.done $0x0  }
0xa4: {  	s25 =	simm.s32 $0x1B8E;
	s24 =	sld [smem:$0x3FFE];
	[sflag:s23] =	ssyncadd.s32 $0xFFFFFFFF  }
0xa5: {  	s26 =	simm.s32 $execute0_lowered;
	[smem:$0x3FD2] =	sst s25  }
0xa6: {  	s4 =	sshll.u32 s26, $0x1;
	_ =	strace $0x8000004C;
	[dreg:$0x1] =	wrdreg $0xFFFFFFFF  }
0xa7: {  	s28 =	simm.s32 $_size_execute0_lowered;
	s2 =	sadd.s32 s2, s4;
	[dreg:$0x0] =	wrdreg $0x0  }
0xa8: {  	s4 =	sshll.u32 s28, $0x1;
	[dreg:$0x2] =	wrdreg s2  }
0xa9: {  	[dreg:$0x3] =	wrdreg s4  }
0xaa: {  	[dreg:$0x4] =	wrdreg $0xC0  }
0xab: {  	_ =	task [dreg:s6], $0x5FFFF  }
0xac: {  	[dreg:$0x1] =	wrdreg $0xFFFFFFFF  }
0xad: {  	[dreg:$0x0] =	wrdreg $0x60  }
0xae: {  	[dreg:$0x2] =	wrdreg s24  }
0xaf: {  	[dreg:$0x3] =	wrdreg $0x187200  }
0xb0: {  	[dreg:$0x4] =	wrdreg $0x9  }
0xb1: {  	_ =	task.clear_ibuf [dreg:s6], $0x5FFFF;
	_ =	strace $0x9000004C  }
0xb2: {  	s29 =	simm.s32 $0x9;
	_ =	strace $0x8000004E  }
0xb3: {  	_ =	swait.ge [sflag:s29], $0x1  }
0xb4: {  	[sflag:s29] =	ssyncadd.s32 $0xFFFFFFFF  }
0xb5: {  	_ =	strace $0x9000004E  }
0xb6: {  	_ =	sfence  }
0xb7: {  	s30 =	sld [smem:$0x0];
	_ =	sdelay $0x2  }
0xb8: {  	s31 =	sshll.u32 s1, $0xD;
	s1 =	sshrl.u32 s1, $0x2  }
0xb9: {  	s3 =	sand.u32 $0x4000, s31;
	s1 =	sadd.s32 s1, s30  }
0xba: {  	s0 =	sor.u32 s3, s0;
	s1 =	sshll.u32 s1, $0x11  }
0xbb: {  	s0 =	sor.u32 s1, s0  }
0xbc: {  	s0 =	sadd.s32 $0x8F2B, s0  }
0xbd: {  	[sflag:s0] =	ssyncadd.remote.s32 $0x1  }
0xbe: {  	_ =	sfence.sel $0xFFFF  }
0xbf: {  	[dreg:$0x0] =	wrdreg $0xFFFFFFFF;
	(pc) =	sbr.abs _section_cstart, $3  }
0xc0: {  	[dreg:$0x1] =	wrdreg $0xFFFFFFFF  }
0xc1: {  	_ =	task.clear_ibuf [dreg:s6], $0x2FFFF;
	_ =	strace $0x9FFFFFFF  }
0xc2: {  	(tm) =	ssettm $0x7FFFFFFF  }
0xc3: {  	_ =	shalt  }
tec
execute0_lowered:
.L_overlay_start_1:
0x0: {  	(tag) =	ssettag $0x1  }
0x1: {  	s0 =	rddreg [dreg:$0x0]  }
0x2: {  	s2 =	rddreg [dreg:$0x1]  }
0x3: {  	s31 =	rddreg [dreg:$0x2];
	s7 =	simm.s32 $0x0  }
0x4: {  	s11 =	stileid.u32;
	s1 =	srdreg.scid;
	s22 =	simm.s32 $0x2710  }
0x5: {  	s23 =	simm.s32 $0x1;
	s21 =	simm.s32 $0x2;
	p0 =	por $0x0, $0x0  }
0x6: {  	[smem:$0x7FF] =	sst s7;
	s5 =	smul.u32 $0x2800, s11;
	s1 =	sand.u32 $0x1, s1  }
0x7: {  	s6 =	sadd.s32 $0x2200, s0;
	s3 =	sadd.s32 $0x15C00, s0;
	_ =	strace $0x8000004D  }
0x8: {  	s4 =	smul.u32 $0x28000, s1;
	s9 =	sshll.u32 s1, $0x4;
	s1 =	ssub.s32 $0x2, s1  }
0x9: {  	s8 =	sshrl.u32 s5, $0x3;
	s9 =	sor.u32 s11, s9;
	s10 =	sshrl.u32 s1, $0x1  }
0xa: {  	s12 =	sadd.s32 s5, s2;
	s4 =	sadd.s32 s5, s4;
	s9 =	smul.u32 $0x2710, s9  }
0xb: {  	s8 =	sadd.s32 s8, s0;
	s1 =	ssub.s32 s1, s10;
	s10 =	simm.s32 $0x6  }
0xc: {  	s4 =	sshrl.u32 s4, $0x3;
	s8 =	sadd.s32 $0x1AC00, s8;
	s20 =	smax.u32 s1, $0x1  }
0xd: {  	s0 =	sadd.s32 s4, s0;
	s26 =	sshrl.u32 s9, $0x3;
	s4 =	sshll.u32 s11, $0x6  }
0xe: {  	[dreg:$0x3] =	wrdreg s8;
	s13 =	sadd.s32 $0x9C8, s9;
	s15 =	sadd.s32 $0x4EBC8, s9  }
0xf: {  	s17 =	sadd.s32 $0x1D58, s9;
	s18 =	sadd.s32 $0x4FF58, s9;
	s8 =	simm.s32 $0x9C8  }
0x10: {  	s9 =	simm.s32 $0x4468;
	p1 =	sne.s32 s20, $0x1;
	s24 =	sadd.s32 s6, s26  }
0x11: {  	s11 =	sor.u32 $0x1C01, s4;
	s5 =	sshrl.u32 s13, $0x3;
	s16 =	sshrl.u32 s15, $0x3  }
0x12: {  	s19 =	sshrl.u32 s18, $0x3;
	s15 =	simm.s32 $0x4E20;
	s13 =	simm.s32 $0xEAA0  }
0x13: {  	s18 =	simm.s32 $0x3;
	[dreg:$0x4] =	wrdreg s11;
	s14 =	sadd.s32 $0x9C40, s24  }
0x14: {  	s5 =	sadd.s32 s6, s5;
	s25 =	sadd.s32 s6, s16;
	s26 =	sadd.s32 $0x272, s24  }
0x15: {  	s28 =	sadd.s32 $0x9EB2, s24;
	s30 =	sadd.s32 s6, s19;
	s19 =	simm.s32 $0x1390  }
.Ltmp0:
0x16: {  	s11 =	simm.s32 $0x3AA0;
	[dreg:$0x5] =	wrdreg s14;
	(pc) =	sbr.rel @!p1 .LBB2_5-.Ltmp0, $4  }
0x17: {  	s16 =	simm.s32 $0x4;
	[dreg:$0x6] =	wrdreg s5;
	s5 =	sshrl.u32 s17, $0x3  }
0x18: {  	s17 =	simm.s32 $0x30D8;
	s14 =	simm.s32 $0x5;
	s1 =	rddreg [dreg:$0x4]  }
0x19: {  	s29 =	sadd.s32 s6, s5;
	s5 =	sadd.s32 $0x1FC00, s0;
	s6 =	sshrl.u32 s12, $0x3  }
0x1a: {  	s12 =	simm.s32 $0x1D58;
	s0 =	sadd.s32 $0xFFFFFFFF, s20;
	s20 =	simm.s32 $0x9B8  }
0x1b: {  	s31 =	rddreg [dreg:$0x3]  }
0x1c: {  	[tilespmem:s7], [sflag:$0x1] =	stream.linear.gather [hbm4b:s24+s7], $0x9C8, $0x38;
	[tilespmem:$0x1AF20] =	vst v63  }
0x1d: {  	[spmem:s6], [sflag:s1] =	dma.local [hbm:s31], $0x500  }
0x1e: {  	s1 =	rddreg [dreg:$0x5]  }
0x1f: {  	[tilespmem:s22], [sflag:$0x1] =	stream.linear.gather [hbm4b:s1+s7], $0x9C8, $0x38;
	[tilespmem:$0x1AF20] =	vst v63  }
0x20: {  	s31 =	rddreg [dreg:$0x6]  }
0x21: {  	[tilespmem:s8], [sflag:$0x1] =	stream.linear.gather [hbm4b:s31+s7], $0x9C8, $0x38;
	[tilespmem:$0x1AF20] =	vst v63  }
0x22: {  	_ = 	snop  }
0x23: {  	[tilespmem:s17], [sflag:$0x1] =	stream.linear.gather [hbm4b:s25+s7], $0x9C8, $0x38;
	[tilespmem:$0x1AF20] =	vst v63  }
0x24: {  	_ = 	snop  }
0x25: {  	[tilespmem:s19], [sflag:$0x1] =	stream.linear.gather [hbm4b:s26+s7], $0x9C8, $0x38;
	[tilespmem:$0x1AF20] =	vst v63  }
0x26: {  	_ = 	snop  }
0x27: {  	[tilespmem:s11], [sflag:$0x1] =	stream.linear.gather [hbm4b:s28+s7], $0x9C8, $0x38;
	[tilespmem:$0x1AF20] =	vst v63  }
0x28: {  	_ = 	snop  }
0x29: {  	[tilespmem:s12], [sflag:$0x1] =	stream.linear.gather [hbm4b:s29+s7], $0x9B8, $0x38;
	[tilespmem:$0x1AF20] =	vst v63  }
0x2a: {  	_ = 	snop  }
0x2b: {  	[tilespmem:s9], [sflag:$0x1] =	stream.linear.gather [hbm4b:s30+s7], $0x9B8, $0x38;
	[tilespmem:$0x1AF20] =	vst v63  }
0x2c: {  	_ =	swait.ge [sflag:s23], $0x9C8  }
0x2d: {  	[sflag:s23] =	ssyncset.done $0x0  }
0x2e: {  	[sflag:s23] =	ssyncadd.s32 $0xFFFFF638  }
0x2f: {  	[tilespmem:s15], [sflag:$0x2] =	stream.indirect.gather [hbm4b:s3+s8], $0x10, s7, s8, $0xb8;
	[tilespmem:$0x1AF20] =	vst v63  }
0x30: {  	_ =	swait.ge [sflag:s23], $0x500  }
0x31: {  	[sflag:s23] =	ssyncset.done $0x0  }
0x32: {  	[sflag:s23] =	ssyncadd.s32 $0xFFFFFB00  }
0x33: {  	_ =	swait.ge [sflag:s23], $0x9C8  }
0x34: {  	[sflag:s23] =	ssyncset.done $0x0  }
0x35: {  	[sflag:s23] =	ssyncadd.s32 $0xFFFFF638  }
0x36: {  	_ =	swait.ge [sflag:s23], $0x9C8  }
0x37: {  	[sflag:s23] =	ssyncset.done $0x0  }
0x38: {  	[sflag:s23] =	ssyncadd.s32 $0xFFFFF638  }
0x39: {  	_ =	swait.ge [sflag:s23], $0x9C8  }
0x3a: {  	[sflag:s23] =	ssyncset.done $0x0  }
0x3b: {  	[sflag:s23] =	ssyncadd.s32 $0xFFFFF638  }
0x3c: {  	_ =	swait.ge [sflag:s23], $0x9C8  }
0x3d: {  	[sflag:s23] =	ssyncset.done $0x0  }
0x3e: {  	[sflag:s23] =	ssyncadd.s32 $0xFFFFF638  }
0x3f: {  	_ =	swait.ge [sflag:s23], $0x9C8  }
0x40: {  	[sflag:s23] =	ssyncset.done $0x0  }
0x41: {  	[sflag:s23] =	ssyncadd.s32 $0xFFFFF638  }
0x42: {  	_ =	swait.ge [sflag:s23], $0x9B8  }
0x43: {  	[sflag:s23] =	ssyncset.done $0x0  }
0x44: {  	[sflag:s23] =	ssyncadd.s32 $0xFFFFF648  }
0x45: {  	_ =	swait.ge [sflag:s23], $0x9B8  }
0x46: {  	[sflag:s23] =	ssyncset.done $0x0  }
0x47: {  	[sflag:s23] =	ssyncadd.s32 $0xFFFFF648  }
0x48: {  	[bflag:$0x0] =	sbarrier.arrive $0xFFFF  }
0x49: {  	_ =	swait.ge [sflag:s21], $0x9C80  }
0x4a: {  	[sflag:s21] =	ssyncset.done $0x0  }
0x4b: {  	[sflag:s21] =	ssyncadd.s32 $0xFFFF6380  }
0x4c: {  	[tilespmem:s13], [sflag:$0x3] =	stream.indirect.gather [hbm4b:s3+s8], $0x10, s8, s8, $0xb8;
	[tilespmem:$0x1AF20] =	vst v63  }
0x4d: {  	_ = 	snop  }
0x4e: {  	[spmem:s2] =	stream.indirect.scatter.add.f32 [tilespmem:s15], [sflag:$0x4], $0x10, s22, s8, $0xb8;
	[tilespmem:$0x1AF20] =	vst v63  }
0x4f: {  	_ =	swait.ge [sflag:s18], $0x9C80  }
0x50: {  	[sflag:s18] =	ssyncset.done $0x0  }
0x51: {  	[sflag:s18] =	ssyncadd.s32 $0xFFFF6380  }
0x52: {  	_ =	swait.ge [sflag:s16], $0x9C80  }
0x53: {  	[sflag:s16] =	ssyncset.done $0x0  }
0x54: {  	[sflag:s16] =	ssyncadd.s32 $0xFFFF6380  }
0x55: {  	[tilespmem:s15], [sflag:$0x2] =	stream.indirect.gather [hbm4b:s3+s8], $0x10, s19, s8, $0xb8;
	[tilespmem:$0x1AF20] =	vst v63  }
0x56: {  	_ = 	snop  }
0x57: {  	[spmem:s2] =	stream.indirect.scatter.add.f32 [tilespmem:s13], [sflag:$0x5], $0x10, s17, s8, $0xb8;
	[tilespmem:$0x1AF20] =	vst v63  }
0x58: {  	_ =	swait.ge [sflag:s21], $0x9C80  }
0x59: {  	[sflag:s21] =	ssyncset.done $0x0  }
0x5a: {  	[sflag:s21] =	ssyncadd.s32 $0xFFFF6380  }
0x5b: {  	_ =	swait.ge [sflag:s14], $0x9C80  }
0x5c: {  	[sflag:s14] =	ssyncset.done $0x0  }
0x5d: {  	[sflag:s14] =	ssyncadd.s32 $0xFFFF6380  }
0x5e: {  	[tilespmem:s13], [sflag:$0x3] =	stream.indirect.gather [hbm4b:s3+s20], $0x10, s12, s20, $0xb8;
	[tilespmem:$0x1AF20] =	vst v63  }
0x5f: {  	_ = 	snop  }
0x60: {  	[spmem:s2] =	stream.indirect.scatter.add.f32 [tilespmem:s15], [sflag:$0x4], $0x10, s11, s8, $0xb8;
	[tilespmem:$0x1AF20] =	vst v63  }
0x61: {  	_ =	swait.ge [sflag:s18], $0x9B80  }
0x62: {  	[sflag:s18] =	ssyncset.done $0x0  }
0x63: {  	[sflag:s18] =	ssyncadd.s32 $0xFFFF6480  }
0x64: {  	[spmem:s2] =	stream.indirect.scatter.add.f32 [tilespmem:s13], [sflag:$0x5], $0x10, s9, s20, $0xb8;
	[tilespmem:$0x1AF20] =	vst v63  }
0x65: {  	_ =	swait.ge [sflag:s16], $0x9C80  }
0x66: {  	[sflag:s16] =	ssyncset.done $0x0  }
0x67: {  	[sflag:s16] =	ssyncadd.s32 $0xFFFF6380  }
0x68: {  	_ =	swait.ge [sflag:s14], $0x9B80  }
0x69: {  	[sflag:s14] =	ssyncset.done $0x0  }
0x6a: {  	p1 =	sne.s32 s0, $0x1;
	[sflag:s14] =	ssyncadd.s32 $0xFFFF6480  }
.Ltmp1:
0x6b: {  	[bflag:$0x0] =	sbarrier.arrive $0xFFFF;
	(pc) =	sbr.rel @!p1 .LBB2_2-.Ltmp1, $4  }
0x6c: {  	s31 =	sor.u32 $0x1C06, s4;
	[dreg:$0x7] =	wrdreg s4  }
0x6d: {  	[hbm:s5], [sflag:s31] =	dma.local [spmem:s6], $0x500  }
0x6e: {  	s0 =	sadd.s32 $0xFFFFFFFF, s0;
	_ =	swait.ge [sflag:s10], $0x500  }
0x6f: {  	p0 =	por $0x1, $0x1;
	s1 =	rddreg [dreg:$0x4];
	[sflag:s10] =	ssyncset.done $0x0  }
.LBB2_3:
0x70: {  	s4 =	rddreg [dreg:$0x3];
	[sflag:s10] =	ssyncadd.s32 $0xFFFFFB00  }
0x71: {  	[tilespmem:s7], [sflag:$0x1] =	stream.linear.gather [hbm4b:s24+s7], $0x9C8, $0x38;
	[tilespmem:$0x1AF20] =	vst v63  }
0x72: {  	[spmem:s6], [sflag:s1] =	dma.local [hbm:s4], $0x500  }
0x73: {  	s1 =	rddreg [dreg:$0x5]  }
0x74: {  	[tilespmem:s22], [sflag:$0x1] =	stream.linear.gather [hbm4b:s1+s7], $0x9C8, $0x38;
	[tilespmem:$0x1AF20] =	vst v63  }
0x75: {  	s4 =	rddreg [dreg:$0x6]  }
0x76: {  	[tilespmem:s8], [sflag:$0x1] =	stream.linear.gather [hbm4b:s4+s7], $0x9C8, $0x38;
	[tilespmem:$0x1AF20] =	vst v63  }
0x77: {  	_ = 	snop  }
0x78: {  	[tilespmem:s17], [sflag:$0x1] =	stream.linear.gather [hbm4b:s25+s7], $0x9C8, $0x38;
	[tilespmem:$0x1AF20] =	vst v63  }
0x79: {  	_ = 	snop  }
0x7a: {  	[tilespmem:s19], [sflag:$0x1] =	stream.linear.gather [hbm4b:s26+s7], $0x9C8, $0x38;
	[tilespmem:$0x1AF20] =	vst v63  }
0x7b: {  	_ = 	snop  }
0x7c: {  	[tilespmem:s11], [sflag:$0x1] =	stream.linear.gather [hbm4b:s28+s7], $0x9C8, $0x38;
	[tilespmem:$0x1AF20] =	vst v63  }
0x7d: {  	_ = 	snop  }
0x7e: {  	[tilespmem:s12], [sflag:$0x1] =	stream.linear.gather [hbm4b:s29+s7], $0x9B8, $0x38;
	[tilespmem:$0x1AF20] =	vst v63  }
0x7f: {  	_ = 	snop  }
0x80: {  	[tilespmem:s9], [sflag:$0x1] =	stream.linear.gather [hbm4b:s30+s7], $0x9B8, $0x38;
	[tilespmem:$0x1AF20] =	vst v63  }
0x81: {  	_ =	swait.ge [sflag:s23], $0x9C8  }
0x82: {  	[sflag:s23] =	ssyncset.done $0x0  }
0x83: {  	[sflag:s23] =	ssyncadd.s32 $0xFFFFF638  }
0x84: {  	[tilespmem:s15], [sflag:$0x2] =	stream.indirect.gather [hbm4b:s3+s8], $0x10, s7, s8, $0xb8;
	[tilespmem:$0x1AF20] =	vst v63  }
0x85: {  	_ =	swait.ge [sflag:s23], $0x500  }
0x86: {  	[sflag:s23] =	ssyncset.done $0x0  }
0x87: {  	[sflag:s23] =	ssyncadd.s32 $0xFFFFFB00  }
0x88: {  	_ =	swait.ge [sflag:s23], $0x9C8  }
0x89: {  	[sflag:s23] =	ssyncset.done $0x0  }
0x8a: {  	[sflag:s23] =	ssyncadd.s32 $0xFFFFF638  }
0x8b: {  	_ =	swait.ge [sflag:s23], $0x9C8  }
0x8c: {  	[sflag:s23] =	ssyncset.done $0x0  }
0x8d: {  	[sflag:s23] =	ssyncadd.s32 $0xFFFFF638  }
0x8e: {  	_ =	swait.ge [sflag:s23], $0x9C8  }
0x8f: {  	[sflag:s23] =	ssyncset.done $0x0  }
0x90: {  	[sflag:s23] =	ssyncadd.s32 $0xFFFFF638  }
0x91: {  	_ =	swait.ge [sflag:s23], $0x9C8  }
0x92: {  	[sflag:s23] =	ssyncset.done $0x0  }
0x93: {  	[sflag:s23] =	ssyncadd.s32 $0xFFFFF638  }
0x94: {  	_ =	swait.ge [sflag:s23], $0x9C8  }
0x95: {  	[sflag:s23] =	ssyncset.done $0x0  }
0x96: {  	[sflag:s23] =	ssyncadd.s32 $0xFFFFF638  }
0x97: {  	_ =	swait.ge [sflag:s23], $0x9B8  }
0x98: {  	[sflag:s23] =	ssyncset.done $0x0  }
0x99: {  	[sflag:s23] =	ssyncadd.s32 $0xFFFFF648  }
0x9a: {  	_ =	swait.ge [sflag:s23], $0x9B8  }
0x9b: {  	[sflag:s23] =	ssyncset.done $0x0  }
0x9c: {  	[sflag:s23] =	ssyncadd.s32 $0xFFFFF648  }
0x9d: {  	[bflag:$0x0] =	sbarrier.arrive $0xFFFF  }
0x9e: {  	_ =	swait.ge [sflag:s21], $0x9C80  }
0x9f: {  	[sflag:s21] =	ssyncset.done $0x0  }
0xa0: {  	[sflag:s21] =	ssyncadd.s32 $0xFFFF6380  }
0xa1: {  	[tilespmem:s13], [sflag:$0x3] =	stream.indirect.gather [hbm4b:s3+s8], $0x10, s8, s8, $0xb8;
	[tilespmem:$0x1AF20] =	vst v63  }
0xa2: {  	_ = 	snop  }
0xa3: {  	[spmem:s2] =	stream.indirect.scatter.add.f32 [tilespmem:s15], [sflag:$0x4], $0x10, s22, s8, $0xb8;
	[tilespmem:$0x1AF20] =	vst v63  }
0xa4: {  	_ =	swait.ge [sflag:s18], $0x9C80  }
0xa5: {  	[sflag:s18] =	ssyncset.done $0x0  }
0xa6: {  	[sflag:s18] =	ssyncadd.s32 $0xFFFF6380  }
0xa7: {  	_ =	swait.ge [sflag:s16], $0x9C80  }
0xa8: {  	[sflag:s16] =	ssyncset.done $0x0  }
0xa9: {  	[sflag:s16] =	ssyncadd.s32 $0xFFFF6380  }
0xaa: {  	[tilespmem:s15], [sflag:$0x2] =	stream.indirect.gather [hbm4b:s3+s8], $0x10, s19, s8, $0xb8;
	[tilespmem:$0x1AF20] =	vst v63  }
0xab: {  	_ = 	snop  }
0xac: {  	[spmem:s2] =	stream.indirect.scatter.add.f32 [tilespmem:s13], [sflag:$0x5], $0x10, s17, s8, $0xb8;
	[tilespmem:$0x1AF20] =	vst v63  }
0xad: {  	_ =	swait.ge [sflag:s21], $0x9C80  }
0xae: {  	[sflag:s21] =	ssyncset.done $0x0  }
0xaf: {  	[sflag:s21] =	ssyncadd.s32 $0xFFFF6380  }
0xb0: {  	_ =	swait.ge [sflag:s14], $0x9C80  }
0xb1: {  	[sflag:s14] =	ssyncset.done $0x0  }
0xb2: {  	[sflag:s14] =	ssyncadd.s32 $0xFFFF6380  }
0xb3: {  	[tilespmem:s13], [sflag:$0x3] =	stream.indirect.gather [hbm4b:s3+s20], $0x10, s12, s20, $0xb8;
	[tilespmem:$0x1AF20] =	vst v63  }
0xb4: {  	_ = 	snop  }
0xb5: {  	[spmem:s2] =	stream.indirect.scatter.add.f32 [tilespmem:s15], [sflag:$0x4], $0x10, s11, s8, $0xb8;
	[tilespmem:$0x1AF20] =	vst v63  }
0xb6: {  	_ =	swait.ge [sflag:s18], $0x9B80  }
0xb7: {  	[sflag:s18] =	ssyncset.done $0x0  }
0xb8: {  	[sflag:s18] =	ssyncadd.s32 $0xFFFF6480  }
0xb9: {  	[spmem:s2] =	stream.indirect.scatter.add.f32 [tilespmem:s13], [sflag:$0x5], $0x10, s9, s20, $0xb8;
	[tilespmem:$0x1AF20] =	vst v63  }
0xba: {  	_ =	swait.ge [sflag:s16], $0x9C80  }
0xbb: {  	[sflag:s16] =	ssyncset.done $0x0  }
0xbc: {  	[sflag:s16] =	ssyncadd.s32 $0xFFFF6380  }
0xbd: {  	_ =	swait.ge [sflag:s14], $0x9B80  }
0xbe: {  	p1 =	sne.s32 s0, $0x1;
	[sflag:s14] =	ssyncset.done $0x0  }
.Ltmp2:
0xbf: {  	[sflag:s14] =	ssyncadd.s32 $0xFFFF6480;
	(pc) =	sbr.rel @p1 .LBB2_3-.Ltmp2, $4  }
0xc0: {  	[bflag:$0x0] =	sbarrier.arrive $0xFFFF  }
0xc1: {  	[hbm:s5], [sflag:s31] =	dma.local [spmem:s6], $0x500  }
0xc2: {  	_ =	swait.ge [sflag:s10], $0x500  }
0xc3: {  	s0 =	sadd.s32 $0xFFFFFFFF, s0;
	s1 =	rddreg [dreg:$0x4];
	[sflag:s10] =	ssyncset.done $0x0  }
0xc4: {  	s31 =	rddreg [dreg:$0x2]  }
0xc5: {  	s4 =	rddreg [dreg:$0x7]  }
.LBB2_5:
0xc6: {  	s0 =	rddreg [dreg:$0x3];
	[sflag:s10] =	ssyncadd.s32 @p0 $0xFFFFFB00  }
0xc7: {  	[tilespmem:s7], [sflag:$0x1] =	stream.linear.gather [hbm4b:s24+s7], $0x9C8, $0x38;
	[tilespmem:$0x1AF20] =	vst v63  }
0xc8: {  	[spmem:s6], [sflag:s1] =	dma.local [hbm:s0], $0x500  }
0xc9: {  	s0 =	rddreg [dreg:$0x5]  }
0xca: {  	[tilespmem:s22], [sflag:$0x1] =	stream.linear.gather [hbm4b:s0+s7], $0x9C8, $0x38;
	[tilespmem:$0x1AF20] =	vst v63  }
0xcb: {  	s1 =	rddreg [dreg:$0x6]  }
0xcc: {  	[tilespmem:s8], [sflag:$0x1] =	stream.linear.gather [hbm4b:s1+s7], $0x9C8, $0x38;
	[tilespmem:$0x1AF20] =	vst v63  }
0xcd: {  	_ = 	snop  }
0xce: {  	[tilespmem:s17], [sflag:$0x1] =	stream.linear.gather [hbm4b:s25+s7], $0x9C8, $0x38;
	[tilespmem:$0x1AF20] =	vst v63  }
0xcf: {  	_ = 	snop  }
0xd0: {  	[tilespmem:s19], [sflag:$0x1] =	stream.linear.gather [hbm4b:s26+s7], $0x9C8, $0x38;
	[tilespmem:$0x1AF20] =	vst v63  }
0xd1: {  	_ = 	snop  }
0xd2: {  	[tilespmem:s11], [sflag:$0x1] =	stream.linear.gather [hbm4b:s28+s7], $0x9C8, $0x38;
	[tilespmem:$0x1AF20] =	vst v63  }
0xd3: {  	_ = 	snop  }
0xd4: {  	[tilespmem:s12], [sflag:$0x1] =	stream.linear.gather [hbm4b:s29+s7], $0x9B8, $0x38;
	[tilespmem:$0x1AF20] =	vst v63  }
0xd5: {  	_ = 	snop  }
0xd6: {  	[tilespmem:s9], [sflag:$0x1] =	stream.linear.gather [hbm4b:s30+s7], $0x9B8, $0x38;
	[tilespmem:$0x1AF20] =	vst v63  }
0xd7: {  	_ =	swait.ge [sflag:s23], $0x9C8  }
0xd8: {  	[sflag:s23] =	ssyncset.done $0x0  }
0xd9: {  	[sflag:s23] =	ssyncadd.s32 $0xFFFFF638  }
0xda: {  	[tilespmem:s15], [sflag:$0x2] =	stream.indirect.gather [hbm4b:s3+s8], $0x10, s7, s8, $0xb8;
	[tilespmem:$0x1AF20] =	vst v63  }
0xdb: {  	_ =	swait.ge [sflag:s23], $0x500  }
0xdc: {  	[sflag:s23] =	ssyncset.done $0x0  }
0xdd: {  	[sflag:s23] =	ssyncadd.s32 $0xFFFFFB00  }
0xde: {  	_ =	swait.ge [sflag:s23], $0x9C8  }
0xdf: {  	[sflag:s23] =	ssyncset.done $0x0  }
0xe0: {  	[sflag:s23] =	ssyncadd.s32 $0xFFFFF638  }
0xe1: {  	_ =	swait.ge [sflag:s23], $0x9C8  }
0xe2: {  	[sflag:s23] =	ssyncset.done $0x0  }
0xe3: {  	[sflag:s23] =	ssyncadd.s32 $0xFFFFF638  }
0xe4: {  	_ =	swait.ge [sflag:s23], $0x9C8  }
0xe5: {  	[sflag:s23] =	ssyncset.done $0x0  }
0xe6: {  	[sflag:s23] =	ssyncadd.s32 $0xFFFFF638  }
0xe7: {  	_ =	swait.ge [sflag:s23], $0x9C8  }
0xe8: {  	[sflag:s23] =	ssyncset.done $0x0  }
0xe9: {  	[sflag:s23] =	ssyncadd.s32 $0xFFFFF638  }
0xea: {  	_ =	swait.ge [sflag:s23], $0x9C8  }
0xeb: {  	[sflag:s23] =	ssyncset.done $0x0  }
0xec: {  	[sflag:s23] =	ssyncadd.s32 $0xFFFFF638  }
0xed: {  	_ =	swait.ge [sflag:s23], $0x9B8  }
0xee: {  	[sflag:s23] =	ssyncset.done $0x0  }
0xef: {  	[sflag:s23] =	ssyncadd.s32 $0xFFFFF648  }
0xf0: {  	_ =	swait.ge [sflag:s23], $0x9B8  }
0xf1: {  	[sflag:s23] =	ssyncset.done $0x0  }
0xf2: {  	[sflag:s23] =	ssyncadd.s32 $0xFFFFF648  }
0xf3: {  	[bflag:$0x0] =	sbarrier.arrive $0xFFFF  }
0xf4: {  	_ =	swait.ge [sflag:s21], $0x9C80  }
0xf5: {  	[sflag:s21] =	ssyncset.done $0x0  }
0xf6: {  	[sflag:s21] =	ssyncadd.s32 $0xFFFF6380  }
0xf7: {  	[tilespmem:s13], [sflag:$0x3] =	stream.indirect.gather [hbm4b:s3+s8], $0x10, s8, s8, $0xb8;
	[tilespmem:$0x1AF20] =	vst v63  }
0xf8: {  	_ = 	snop  }
0xf9: {  	[spmem:s2] =	stream.indirect.scatter.add.f32 [tilespmem:s15], [sflag:$0x4], $0x10, s22, s8, $0xb8;
	[tilespmem:$0x1AF20] =	vst v63  }
0xfa: {  	_ =	swait.ge [sflag:s18], $0x9C80  }
0xfb: {  	[sflag:s18] =	ssyncset.done $0x0  }
0xfc: {  	[sflag:s18] =	ssyncadd.s32 $0xFFFF6380  }
0xfd: {  	_ =	swait.ge [sflag:s16], $0x9C80  }
0xfe: {  	[sflag:s16] =	ssyncset.done $0x0  }
0xff: {  	[sflag:s16] =	ssyncadd.s32 $0xFFFF6380  }
0x100: {  	[tilespmem:s15], [sflag:$0x2] =	stream.indirect.gather [hbm4b:s3+s8], $0x10, s19, s8, $0xb8;
	[tilespmem:$0x1AF20] =	vst v63  }
0x101: {  	_ = 	snop  }
0x102: {  	[spmem:s2] =	stream.indirect.scatter.add.f32 [tilespmem:s13], [sflag:$0x5], $0x10, s17, s8, $0xb8;
	[tilespmem:$0x1AF20] =	vst v63  }
0x103: {  	_ =	swait.ge [sflag:s21], $0x9C80  }
0x104: {  	[sflag:s21] =	ssyncset.done $0x0  }
0x105: {  	[sflag:s21] =	ssyncadd.s32 $0xFFFF6380  }
0x106: {  	_ =	swait.ge [sflag:s14], $0x9C80  }
0x107: {  	[sflag:s14] =	ssyncset.done $0x0  }
0x108: {  	[sflag:s14] =	ssyncadd.s32 $0xFFFF6380  }
0x109: {  	[tilespmem:s13], [sflag:$0x3] =	stream.indirect.gather [hbm4b:s3+s20], $0x10, s12, s20, $0xb8;
	[tilespmem:$0x1AF20] =	vst v63  }
0x10a: {  	_ = 	snop  }
0x10b: {  	[spmem:s2] =	stream.indirect.scatter.add.f32 [tilespmem:s15], [sflag:$0x4], $0x10, s11, s8, $0xb8;
	[tilespmem:$0x1AF20] =	vst v63  }
0x10c: {  	_ =	swait.ge [sflag:s18], $0x9B80  }
0x10d: {  	[sflag:s18] =	ssyncset.done $0x0  }
0x10e: {  	[sflag:s18] =	ssyncadd.s32 $0xFFFF6480  }
0x10f: {  	[spmem:s2] =	stream.indirect.scatter.add.f32 [tilespmem:s13], [sflag:$0x5], $0x10, s9, s20, $0xb8;
	[tilespmem:$0x1AF20] =	vst v63  }
0x110: {  	_ =	swait.ge [sflag:s16], $0x9C80  }
0x111: {  	[sflag:s16] =	ssyncset.done $0x0  }
0x112: {  	[sflag:s16] =	ssyncadd.s32 $0xFFFF6380  }
0x113: {  	_ =	swait.ge [sflag:s14], $0x9B80  }
0x114: {  	[sflag:s14] =	ssyncset.done $0x0  }
0x115: {  	[sflag:s14] =	ssyncadd.s32 $0xFFFF6480  }
0x116: {  	s29 =	sor.u32 $0x1C06, s4;
	[bflag:$0x0] =	sbarrier.arrive $0xFFFF  }
0x117: {  	[hbm:s5], [sflag:s29] =	dma.local [spmem:s6], $0x500  }
0x118: {  	_ =	swait.ge [sflag:s10], $0x500  }
0x119: {  	[sflag:s10] =	ssyncset.done $0x0  }
0x11a: {  	[sflag:s10] =	ssyncadd.s32 $0xFFFFFB00  }
0x11b: {  	_ =	sfence.sel $0x180000  }
0x11c: {  	s30 =	stileid.u32;
	[bflag:$0x0] =	sbarrier.arrive $0xFFFF  }
0x11d: {  	p0 =	sne.s32 s30, $0x0;
	_ =	strace $0x9000004D  }
0x11e: {  	s0 =	sadd.s32 @!p0 $0x100000, s31;
	[bflag:$0x2] =	sbarrier.arrive $0xFFFF  }
0x11f: {  	[sflag:s0] =	ssyncadd.tile.s32 @!p0 $0x1;
	_ =	shalt  }
.LBB2_2:
.Ltmp3:
0x120: {  	(pc) =	sbr.rel .LBB2_5-.Ltmp3, $3  }
0x121: {  	_ =	sdelay $0x1  }
0x122: {  	s31 =	rddreg [dreg:$0x2]  }
0x123: {  	s4 =	rddreg [dreg:$0x7]  }
.Lfunc_end2:
_tile_overlayer_lowered:
.L_overlay_start_2:
0x124: {  	(tag) =	ssettag $0x2  }
0x125: {  	s0 =	rddreg [dreg:$0x0];
	s2 =	stileid.u32  }
0x126: {  	s1 =	rddreg [dreg:$0x1];
	p0 =	sne.s32 s2, $0x0  }
0x127: {  	s3 =	rddreg [dreg:$0x2];
	[bflag:$0x3] =	sbarrier.arrive $0xFFFF;
	s2 =	simm.s32 @!p0 $0x1C06  }
0x128: {  	[timem:s3], [sflag:s2] =	dma.local @!p0 [hbm:s0], s1  }
0x129: {  	s0 =	simm.s32 @!p0 $0x6  }
0x12a: {  	_ =	swait.ge @!p0 [sflag:s0], s1  }
0x12b: {  	s1 =	ssub.s32 @!p0 $0x0, s1;
	[sflag:s0] =	ssyncset.done @!p0 $0x0  }
0x12c: {  	[sflag:s0] =	ssyncadd.s32 @!p0 s1  }
0x12d: {  	[bflag:$0x3] =	sbarrier.arrive $0xFFFF  }
0x12e: {  	_ =	shalt  }

// kernel: kernel.7.cloned.1.call-start
scs
__scs_entry_jumppad:
0x0: {  	(pc) =	sbr.rel $0x88, $3  }
0x1: {  	(tag) =	ssettag $0x0;
	lr =	simm.s32 $0x1  }
0x2: {  	[smem:$0x3F97] =	sst lr;
	_ =	strace $0xD0000000  }
0x3: {  	_ = 	snop  }
0x4: {  	_ = 	snop  }
0x5: {  	_ = 	snop  }
0x6: {  	_ = 	snop  }
0x7: {  	_ = 	snop  }
__scs_overlays_trampoline_lowered:
0x8: {  	[smem:$0x3FA6] =	sst s0  }
0x9: {  	[smem:$0x3FA7] =	sst s1  }
0xa: {  	[smem:$0x3FA8] =	sst s2  }
0xb: {  	[smem:$0x3FA9] =	sst s3  }
0xc: {  	[smem:$0x3FAA] =	sst s4  }
0xd: {  	[smem:$0x3FAB] =	sst s5  }
0xe: {  	[smem:$0x3FAC] =	sst s6  }
0xf: {  	[smem:$0x3FAD] =	sst s7  }
0x10: {  	[smem:$0x3FAE] =	sst s8  }
0x11: {  	[smem:$0x3FAF] =	sst s9;
	s0 =	simm.s32 @!p0 $0x0  }
0x12: {  	s1 =	sld [smem:$0x3F95];
	s0 =	simm.s32 @p0 $0x1  }
0x13: {  	[smem:$0x3FB0] =	sst s0;
	s0 =	simm.s32 @!p1 $0x0  }
0x14: {  	s2 =	sld [smem:$0x3F94];
	s0 =	simm.s32 @p1 $0x1  }
0x15: {  	[smem:$0x3FB1] =	sst s0;
	s0 =	simm.s32 @!p2 $0x0  }
0x16: {  	s3 =	sld [smem:$0x3FDB];
	s0 =	simm.s32 @p2 $0x1  }
0x17: {  	s4 =	simm.s32 $0x1BF5;
	[smem:$0x3FB3] =	sst s0  }
0x18: {  	s0 =	sld [smem:$0x3F96];
	_ =	swait.ge [sflag:s4], $0x0  }
0x19: {  	s7 =	sld [smem:$0x3F97]  }
0x1a: {  	s8 =	sadd.s32 $0xFFFFE003, lr  }
0x1b: {  	s9 =	sadd.s32 $0xFFFFFEF7, lr;
	s5 =	simm.s32 $0xFFFFFFFF;
	p2 =	slt.u32 s8, $0xFFFFF086  }
0x1c: {  	p1 =	slt.u32 s9, $0xF7A;
	s5 =	simm.s32 @!p2 $0x0  }
0x1d: {  	s5 =	simm.s32 @p1 $0x1;
	p0 =	seq.s32 s7, s2  }
0x1e: {  	s7 =	smul.u32 @!p0 $0xF7A, s2;
	p2 =	seq.s32 @!p0 s5, $0x0  }
0x1f: {  	s9 =	smul.u32 $0xF7A, s1;
	s8 =	simm.s32 @!p0 $0x1BF5;
	p2 =	por !p2, p0  }
0x20: {  	[sflag:s8] =	ssyncset.s32 @!p0 $0xFFFFF086;
	s6 =	sadd.s32 @!p0 s3, s7;
	s7 =	simm.s32 @!p0 $0x108  }
0x21: {  	s3 =	sadd.s32 s3, s9;
	s6 =	sadd.s32 @!p0 $0x88, s6;
	s7 =	simm.s32 @p2 $0x1082  }
0x22: {  	[simem:s7], [sflag:s8] =	dma.local @!p0 [hbm:s6], $0xF7A  }
0x23: {  	s9 =	sor.u32 $0xD0000000, s2;
	s6 =	simm.s32 $0x108;
	_ =	swait.ge @!p0 [sflag:s8], $0x0  }
0x24: {  	s3 =	sadd.s32 $0x88, s3;
	s6 =	simm.s32 @!p1 $0x1082;
	[sflag:s4] =	ssyncset.s32 $0xFFFFF086  }
0x25: {  	[simem:s6], [sflag:s4] =	dma.local [hbm:s3], $0xF7A  }
0x26: {  	[smem:$0x3F97] =	sst s1;
	(tag) =	ssettag s2;
	_ =	strace s9  }
0x27: {  	s1 =	sld [smem:$0x3FA7]  }
0x28: {  	s2 =	sld [smem:$0x3FA8]  }
0x29: {  	s4 =	sld [smem:$0x3FAA]  }
0x2a: {  	p0 =	seq.s32 s5, $0x0;
	s5 =	sld [smem:$0x3FAB]  }
0x2b: {  	s6 =	sld [smem:$0x3FAC]  }
0x2c: {  	s7 =	sld [smem:$0x3FAD]  }
0x2d: {  	s3 =	simm.s32 $0x108;
	s8 =	sld [smem:$0x3FAE]  }
0x2e: {  	s3 =	simm.s32 @!p0 $0x1082;
	s9 =	sld [smem:$0x3FAF]  }
0x2f: {  	lr =	sadd.s32 s0, s3;
	s0 =	sld [smem:$0x3FA6]  }
0x30: {  	s3 =	sld [smem:$0x3FA9]  }
0x31: {  	[smem:$0x3FB2] =	sst s10  }
0x32: {  	s10 =	sld [smem:$0x3FB0];
	_ =	sdelay $0x3  }
0x33: {  	p0 =	seq.s32 s10, $0x1;
	s10 =	sld [smem:$0x3FB2];
	_ =	sdelay $0x3  }
0x34: {  	[smem:$0x3FB2] =	sst s10  }
0x35: {  	s10 =	sld [smem:$0x3FB1];
	_ =	sdelay $0x3  }
0x36: {  	p1 =	seq.s32 s10, $0x1;
	s10 =	sld [smem:$0x3FB2];
	_ =	sdelay $0x3  }
0x37: {  	[smem:$0x3FB2] =	sst s10  }
0x38: {  	s10 =	sld [smem:$0x3FB3]  }
0x39: {  	_ = 	snop;
	(pc) =	sbr.ind lr, $3  }
0x3a: {  	_ = 	snop  }
0x3b: {  	_ = 	snop  }
0x3c: {  	p2 =	seq.s32 s10, $0x1;
	s10 =	sld [smem:$0x3FB2]  }
0x3d: {  	_ =	shalt  }
0x3e: {  	_ =	shalt  }
0x3f: {  	_ =	shalt  }
0x40: {  	_ =	shalt  }
0x41: {  	_ =	shalt  }
0x42: {  	_ =	shalt  }
0x43: {  	_ =	shalt  }
0x44: {  	_ =	shalt  }
0x45: {  	_ =	shalt  }
0x46: {  	_ =	shalt  }
0x47: {  	_ =	shalt  }
0x48: {  	_ =	shalt  }
0x49: {  	_ =	shalt  }
0x4a: {  	_ =	shalt  }
0x4b: {  	_ =	shalt  }
0x4c: {  	_ =	shalt  }
0x4d: {  	_ =	shalt  }
0x4e: {  	_ =	shalt  }
0x4f: {  	_ =	shalt  }
0x50: {  	_ =	shalt  }
0x51: {  	_ =	shalt  }
0x52: {  	_ =	shalt  }
0x53: {  	_ =	shalt  }
0x54: {  	_ =	shalt  }
0x55: {  	_ =	shalt  }
0x56: {  	_ =	shalt  }
0x57: {  	_ =	shalt  }
0x58: {  	_ =	shalt  }
0x59: {  	_ =	shalt  }
0x5a: {  	_ =	shalt  }
0x5b: {  	_ =	shalt  }
0x5c: {  	_ =	shalt  }
0x5d: {  	_ =	shalt  }
0x5e: {  	_ =	shalt  }
0x5f: {  	_ =	shalt  }
0x60: {  	_ =	shalt  }
0x61: {  	_ =	shalt  }
0x62: {  	_ =	shalt  }
0x63: {  	_ =	shalt  }
0x64: {  	_ =	shalt  }
0x65: {  	_ =	shalt  }
0x66: {  	_ =	shalt  }
0x67: {  	_ =	shalt  }
0x68: {  	_ =	shalt  }
0x69: {  	_ =	shalt  }
0x6a: {  	_ =	shalt  }
0x6b: {  	_ =	shalt  }
0x6c: {  	_ =	shalt  }
0x6d: {  	_ =	shalt  }
0x6e: {  	_ =	shalt  }
0x6f: {  	_ =	shalt  }
0x70: {  	_ =	shalt  }
0x71: {  	_ =	shalt  }
0x72: {  	_ =	shalt  }
0x73: {  	_ =	shalt  }
0x74: {  	_ =	shalt  }
0x75: {  	_ =	shalt  }
0x76: {  	_ =	shalt  }
0x77: {  	_ =	shalt  }
0x78: {  	_ =	shalt  }
0x79: {  	_ =	shalt  }
0x7a: {  	_ =	shalt  }
0x7b: {  	_ =	shalt  }
0x7c: {  	_ =	shalt  }
0x7d: {  	_ =	shalt  }
0x7e: {  	_ =	shalt  }
0x7f: {  	_ =	shalt  }
0x80: {  	_ =	shalt  }
0x81: {  	_ =	shalt  }
0x82: {  	_ =	shalt  }
0x83: {  	_ =	shalt  }
0x84: {  	_ =	shalt  }
0x85: {  	_ =	shalt  }
0x86: {  	_ =	shalt  }
0x87: {  	_ =	shalt  }
.Lfunc_end0:
.L_simem_size_0:
called_computation_lowered:
.L_overlay_start_0:
0x88: {  	s2 =	sld [smem:$0x3FD9]  }
0x89: {  	s3 =	sld [smem:$0x3FFE];
	_ =	sdelay $0x1  }
0x8a: {  	s1 =	srdreg.scid  }
0x8b: {  	s0 =	sand.u32 $0x1, s1  }
0x8c: {  	s17 =	sshll.u32 s0, $0xA;
	s2 =	sadd.s32 s3, s2  }
0x8d: {  	s2 =	sadd.s32 s2, s17  }
0x8e: {  	[smem:$0x3FBE] =	sst s2  }
0x8f: {  	_ = 	snop  }
0x90: {  	s2 =	sld [smem:$0x3FD0];
	(tm) =	ssettm $0x1  }
0x91: {  	s18 =	sld [smem:$0x3FFB];
	_ =	sdelay $0x3  }
0x92: {  	_ =	strace s18  }
0x93: {  	s3 =	sld [smem:$0x3FFC];
	_ =	sdelay $0x3  }
0x94: {  	_ =	strace s3  }
0x95: {  	s3 =	sld [smem:$0x3FFD];
	_ =	sdelay $0x3  }
0x96: {  	_ =	strace s3  }
0x97: {  	_ =	strace $0x8FFFFFFF  }
0x98: {  	s19 =	sld [smem:$0x3FDB];
	_ =	sdelay $0x1  }
0x99: {  	s4 =	simm.s32 $_scs_section_size  }
0x9a: {  	s5 =	simm.s32 $_size__tile_overlayer_lowered;
	s6 =	simm.s32 $_tile_overlayer_lowered  }
0x9b: {  	s22 =	simm.s32 $0x1BFF;
	s21 =	sshll.u32 s6, $0x1;
	s3 =	sadd.s32 s4, s19  }
0x9c: {  	s7 =	simm.s32 $0x0;
	s20 =	sshll.u32 s5, $0x1;
	s5 =	sadd.s32 s21, s3  }
0x9d: {  	[timem:s7], [sflag:s22] =	dma.local [hbm:s5], s20  }
0x9e: {  	_ =	swait.ge [sflag:s22], s20  }
0x9f: {  	s4 =	ssub.s32 $0x0, s20;
	[sflag:s22] =	ssyncset.done $0x0  }
0xa0: {  	[sflag:s22] =	ssyncadd.s32 s4;
	_ =	sdelay $0x1  }
0xa1: {  	s23 =	simm.s32 $0x1B8B  }
0xa2: {  	_ =	swait.ge [sflag:s23], $0x1  }
0xa3: {  	[sflag:s23] =	ssyncset.done $0x0  }
0xa4: {  	s25 =	simm.s32 $0x1B8E;
	s24 =	sld [smem:$0x3FFE];
	[sflag:s23] =	ssyncadd.s32 $0xFFFFFFFF  }
0xa5: {  	s26 =	simm.s32 $execute0_lowered;
	[smem:$0x3FD2] =	sst s25  }
0xa6: {  	s5 =	sshll.u32 s26, $0x1;
	_ =	strace $0x80000046;
	[dreg:$0x1] =	wrdreg $0xFFFFFFFF  }
0xa7: {  	s28 =	simm.s32 $_size_execute0_lowered;
	s3 =	sadd.s32 s3, s5;
	[dreg:$0x0] =	wrdreg $0x0  }
0xa8: {  	s5 =	sshll.u32 s28, $0x1;
	[dreg:$0x2] =	wrdreg s3  }
0xa9: {  	[dreg:$0x3] =	wrdreg s5  }
0xaa: {  	[dreg:$0x4] =	wrdreg $0xC0  }
0xab: {  	_ =	task [dreg:s7], $0x5FFFF  }
0xac: {  	[dreg:$0x1] =	wrdreg $0xFFFFFFFF  }
0xad: {  	[dreg:$0x0] =	wrdreg $0x60  }
0xae: {  	[dreg:$0x2] =	wrdreg s24  }
0xaf: {  	[dreg:$0x3] =	wrdreg s2  }
0xb0: {  	[dreg:$0x4] =	wrdreg $0x51800  }
0xb1: {  	[dreg:$0x5] =	wrdreg $0x9  }
0xb2: {  	_ =	task.clear_ibuf [dreg:s7], $0x6FFFF;
	_ =	strace $0x90000046  }
0xb3: {  	s29 =	simm.s32 $0x9;
	_ =	strace $0x80000048  }
0xb4: {  	_ =	swait.ge [sflag:s29], $0x1  }
0xb5: {  	[sflag:s29] =	ssyncadd.s32 $0xFFFFFFFF  }
0xb6: {  	_ =	strace $0x90000048  }
0xb7: {  	_ =	sfence  }
0xb8: {  	s30 =	sld [smem:$0x0];
	_ =	sdelay $0x2  }
0xb9: {  	s31 =	sshll.u32 s1, $0xD;
	s1 =	sshrl.u32 s1, $0x2  }
0xba: {  	s3 =	sand.u32 $0x4000, s31;
	s1 =	sadd.s32 s1, s30  }
0xbb: {  	s0 =	sor.u32 s3, s0;
	s1 =	sshll.u32 s1, $0x11  }
0xbc: {  	s0 =	sor.u32 s1, s0  }
0xbd: {  	s0 =	sadd.s32 $0x8F2B, s0  }
0xbe: {  	[sflag:s0] =	ssyncadd.remote.s32 $0x1  }
0xbf: {  	_ =	sfence.sel $0xFFFF  }
0xc0: {  	[dreg:$0x0] =	wrdreg $0xFFFFFFFF;
	(pc) =	sbr.abs _section_cstart, $3  }
0xc1: {  	[dreg:$0x1] =	wrdreg $0xFFFFFFFF  }
0xc2: {  	_ =	task.clear_ibuf [dreg:s7], $0x2FFFF;
	_ =	strace $0x9FFFFFFF  }
0xc3: {  	(tm) =	ssettm $0x7FFFFFFF  }
tec
execute0_lowered:
.L_overlay_start_1:
0x0: {  	(tag) =	ssettag $0x1  }
0x1: {  	s4 =	rddreg [dreg:$0x0]  }
0x2: {  	s0 =	srdreg.scid;
	s6 =	rddreg [dreg:$0x1]  }
0x3: {  	s2 =	rddreg [dreg:$0x2];
	s1 =	stileid.u32;
	s3 =	simm.s32 $0x0  }
0x4: {  	s12 =	simm.s32 $0x2780;
	s15 =	simm.s32 $0x20;
	s16 =	simm.s32 $0x10  }
0x5: {  	s5 =	sand.u32 $0x1, s0;
	s0 =	rddreg [dreg:$0x3];
	s9 =	smul.u32 $0x500, s1  }
0x6: {  	s17 =	simm.s32 $0x0;
	[smem:$0x7FF] =	sst s3;
	s11 =	smul.u32 $0xA00, s1  }
0x7: {  	s13 =	sshll.u32 s1, $0x6;
	s7 =	sshll.u32 s5, $0x4;
	_ =	strace $0x80000047  }
0x8: {  	s8 =	ssub.s32 $0x2, s5;
	s5 =	sshll.u32 s5, $0x7;
	s13 =	sor.u32 $0x1C02, s13  }
0x9: {  	s7 =	sor.u32 s1, s7;
	s10 =	sshrl.u32 s8, $0x1;
	s5 =	sor.u32 s5, s9  }
0xa: {  	s31 =	sshrl.u32 s11, $0x2;
	s11 =	simm.s32 $0x2710;
	s7 =	smul.u32 $0x2710, s7  }
0xb: {  	s8 =	ssub.s32 s8, s10;
	s9 =	sshrl.u32 s5, $0x3;
	s5 =	sadd.s32 s31, s2  }
0xc: {  	s10 =	simm.s32 $0x1;
	s6 =	sadd.s32 s6, s9;
	s7 =	sshrl.u32 s7, $0x3  }
0xd: {  	s9 =	simm.s32 $0x2;
	s14 =	sshrl.u32 s5, $0x3;
	s4 =	sadd.s32 s4, s7  }
0xe: {  	v0 =	vimm.f32 $0.0e+00;
	v1 =	vimm.f32 $1.000000000e+00;
	s7 =	smax.u32 s8, $0x1;
	s8 =	simm.s32 $0x4F00;
	s4 =	sadd.s32 $0xBE40, s4  }
.LBB2_1:
0xf: {  	[tilespmem:s3], [sflag:$0x1] =	stream.linear.gather [hbm4b:s4+s3], $0x2710, $0x38;
	[tilespmem:$0x5400] =	vst v63  }
0x10: {  	[tilespmem:$0x4F00] =	vst v0  }
0x11: {  	[tilespmem:$0x4F10] =	vst v0  }
0x12: {  	[tilespmem:$0x4F20] =	vst v0  }
0x13: {  	[tilespmem:$0x4F30] =	vst v0  }
0x14: {  	[tilespmem:$0x4F40] =	vst v0  }
0x15: {  	[tilespmem:$0x4F50] =	vst v0  }
0x16: {  	[tilespmem:$0x4F60] =	vst v0  }
0x17: {  	[tilespmem:$0x4F70] =	vst v0  }
0x18: {  	[tilespmem:$0x4F80] =	vst v0  }
0x19: {  	[tilespmem:$0x4F90] =	vst v0  }
0x1a: {  	[tilespmem:$0x4FA0] =	vst v0  }
0x1b: {  	[tilespmem:$0x4FB0] =	vst v0  }
0x1c: {  	[tilespmem:$0x4FC0] =	vst v0  }
0x1d: {  	[tilespmem:$0x4FD0] =	vst v0  }
0x1e: {  	[tilespmem:$0x4FE0] =	vst v0  }
0x1f: {  	[tilespmem:$0x4FF0] =	vst v0  }
0x20: {  	[tilespmem:$0x5000] =	vst v0  }
0x21: {  	[tilespmem:$0x5010] =	vst v0  }
0x22: {  	[tilespmem:$0x5020] =	vst v0  }
0x23: {  	[tilespmem:$0x5030] =	vst v0  }
0x24: {  	[tilespmem:$0x5040] =	vst v0  }
0x25: {  	[tilespmem:$0x5050] =	vst v0  }
0x26: {  	[tilespmem:$0x5060] =	vst v0  }
0x27: {  	[tilespmem:$0x5070] =	vst v0  }
0x28: {  	[tilespmem:$0x5080] =	vst v0  }
0x29: {  	[tilespmem:$0x5090] =	vst v0  }
0x2a: {  	[tilespmem:$0x50A0] =	vst v0  }
0x2b: {  	[tilespmem:$0x50B0] =	vst v0  }
0x2c: {  	[tilespmem:$0x50C0] =	vst v0  }
0x2d: {  	[tilespmem:$0x50D0] =	vst v0  }
0x2e: {  	[tilespmem:$0x50E0] =	vst v0  }
0x2f: {  	[tilespmem:$0x50F0] =	vst v0  }
0x30: {  	[tilespmem:$0x5100] =	vst v0  }
0x31: {  	[tilespmem:$0x5110] =	vst v0  }
0x32: {  	[tilespmem:$0x5120] =	vst v0  }
0x33: {  	[tilespmem:$0x5130] =	vst v0  }
0x34: {  	[tilespmem:$0x5140] =	vst v0  }
0x35: {  	[tilespmem:$0x5150] =	vst v0  }
0x36: {  	[tilespmem:$0x5160] =	vst v0  }
0x37: {  	s18 =	simm.s32 $0x40;
	s19 =	simm.s32 $0x0;
	[tilespmem:$0x5170] =	vst v0  }
.LBB2_2:
0x38: {  	p0 =	sne.s32 s18, $0x9C00;
	[tilespmem:s19+$0x2780] =	vst v1;
	s19 =	smov.u32 s18;
	s18 =	sadd.s32 $0x40, s18  }
.Ltmp0:
0x39: {  	(pc) =	sbr.rel @p0 .LBB2_2-.Ltmp0, $2  }
0x3a: {  	_ =	sdelay $0x2  }
0x3b: {  	s19 =	sshra.s32 s19, $0x2  }
0x3c: {  	[tilespmem:s19+$0x2780] =	vst v1  }
0x3d: {  	[spmem:s5] =	stream.linear.scatter [tilespmem:s8], [sflag:$0x2], $0x280, $0x38;
	[tilespmem:$0x5400] =	vst v63  }
0x3e: {  	_ =	swait.ge [sflag:s9], $0x280  }
0x3f: {  	[sflag:s9] =	ssyncset.done $0x0  }
0x40: {  	[sflag:s9] =	ssyncadd.s32 $0xFFFFFD80  }
0x41: {  	[bflag:$0x0] =	sbarrier.arrive $0xFFFF  }
0x42: {  	_ =	swait.ge [sflag:s10], $0x2710  }
0x43: {  	[sflag:s10] =	ssyncset.done $0x0  }
0x44: {  	[sflag:s10] =	ssyncadd.s32 $0xFFFFD8F0  }
0x45: {  	[spmem:s2] =	stream.indirect.scatter.add.f32 [tilespmem:s12], [sflag:$0x2], $0x1, s3, s11, $0xb8;
	[tilespmem:$0x5400] =	vst v63  }
0x46: {  	_ =	swait.ge [sflag:s9], $0x2710  }
0x47: {  	s17 =	sadd.s32 $0x1, s17;
	[sflag:s9] =	ssyncset.done $0x0  }
0x48: {  	p0 =	sne.s32 s17, s7;
	[sflag:s9] =	ssyncadd.s32 $0xFFFFD8F0  }
.Ltmp1:
0x49: {  	[bflag:$0x0] =	sbarrier.arrive $0xFFFF;
	(pc) =	sbr.rel @p0 .LBB2_1-.Ltmp1, $4  }
0x4a: {  	[hbm:s6@s15], [sflag:s13] =	dma.strided [spmem:s14@s16], $0x50, s10, $0x10   }
0x4b: {  	_ =	swait.ge [sflag:s9], $0x50  }
0x4c: {  	[sflag:s9] =	ssyncset.done $0x0  }
0x4d: {  	[sflag:s9] =	ssyncadd.s32 $0xFFFFFFB0  }
0x4e: {  	_ =	sfence.sel $0x180000  }
0x4f: {  	[bflag:$0x0] =	sbarrier.arrive $0xFFFF  }
0x50: {  	p0 =	sne.s32 s1, $0x0;
	_ =	strace $0x90000047  }
0x51: {  	s0 =	sadd.s32 @!p0 $0x100000, s0;
	[bflag:$0x2] =	sbarrier.arrive $0xFFFF  }
0x52: {  	[sflag:s0] =	ssyncadd.tile.s32 @!p0 $0x1;
	_ =	shalt  }
.Lfunc_end2:
_tile_overlayer_lowered:
.L_overlay_start_2:
0x53: {  	(tag) =	ssettag $0x2  }
0x54: {  	s0 =	rddreg [dreg:$0x0];
	s2 =	stileid.u32  }
0x55: {  	s1 =	rddreg [dreg:$0x1];
	p0 =	sne.s32 s2, $0x0  }
0x56: {  	s3 =	rddreg [dreg:$0x2];
	[bflag:$0x3] =	sbarrier.arrive $0xFFFF;
	s2 =	simm.s32 @!p0 $0x1C02  }
0x57: {  	[timem:s3], [sflag:s2] =	dma.local @!p0 [hbm:s0], s1  }
0x58: {  	s0 =	simm.s32 @!p0 $0x2  }
0x59: {  	_ =	swait.ge @!p0 [sflag:s0], s1  }
0x5a: {  	s1 =	ssub.s32 @!p0 $0x0, s1;
	[sflag:s0] =	ssyncset.done @!p0 $0x0  }
0x5b: {  	[sflag:s0] =	ssyncadd.s32 @!p0 s1  }
0x5c: {  	[bflag:$0x3] =	sbarrier.arrive $0xFFFF  }
0x5d: {  	_ =	shalt  }

</sc_bundles>
